<compile_context>
chip_gen: v7x
topology: tpu7x:2x2x1
jax: 0.10.2.dev20260603
libtpu: 0.0.44.dev20260713+nightly
codegen_flags: <defaults>
</compile_context>

<pallas_src>
import jax
import jax.numpy as jnp
from jax import lax
from jax.experimental import pallas as pl
from jax.experimental.pallas import tpu as pltpu

_LMBDA = 0.4
_K = 10
_RMAX = 100
_BU = 8

_F32_ONE_BITS = 0x3F800001


def _count_ge(key, mid):
    return jnp.sum(jnp.where(key >= mid, 1.0, 0.0), axis=1, keepdims=True)


def _kth_largest_key(key, kth_f32, n_iters=31):
    b = key.shape[0]
    lo0 = jnp.full((b, 1), -2, jnp.int32)
    hi0 = jnp.full((b, 1), _F32_ONE_BITS, jnp.int32)

    def body(_, c):
        lo, hi = c
        mid = lax.shift_right_arithmetic(lo + hi, 1)
        ge = _count_ge(key, mid) >= kth_f32
        return jnp.where(ge, mid, lo), jnp.where(ge, hi, mid)

    lo, _ = lax.fori_loop(0, n_iters, body, (lo0, hi0))
    return lo


def _tie_index_threshold(eq, iota, need_f32, n_iters=15):
    b, n = eq.shape
    lo0 = jnp.full((b, 1), -1, jnp.int32)
    hi0 = jnp.full((b, 1), n - 1, jnp.int32)

    def body(_, c):
        lo, hi = c
        mid = lax.shift_right_arithmetic(lo + hi, 1)
        cnt = jnp.sum(jnp.where(eq & (iota <= mid), 1.0, 0.0), axis=1,
                      keepdims=True)
        ge = cnt >= need_f32
        return jnp.where(ge, lo, mid), jnp.where(ge, mid, hi)

    _, hi = lax.fori_loop(0, n_iters, body, (lo0, hi0))
    return hi


def _ishead_kernel(pop_ref, hts_ref, out_ref):
    pop = pop_ref[...]
    pn = pop / jnp.sum(pop)
    key = lax.bitcast_convert_type(pn, jnp.int32)
    split_f = hts_ref[0].astype(jnp.float32)
    v = _kth_largest_key(key, jnp.full((1, 1), 1.0, jnp.float32) * split_f)
    c_gt = jnp.sum(jnp.where(key > v, 1.0, 0.0), axis=1, keepdims=True)
    need = split_f - c_gt
    n = pop.shape[1]
    iota = lax.broadcasted_iota(jnp.int32, (1, n), 1)
    eq = key == v
    t = _tie_index_threshold(eq, iota, need)
    out_ref[...] = jnp.where((key > v) | (eq & (iota <= t)), 1.0, 0.0)


def _xquad_kernel(pred_ref, obs_ref, ish_ref, picks_ref, key_ref, base_ref):
    pred = pred_ref[...]
    obs = obs_ref[...]
    ish = ish_ref[...]
    b, n = pred.shape

    rmin = jnp.min(pred, axis=1, keepdims=True)
    rmx = jnp.max(pred, axis=1, keepdims=True)
    s = (pred - rmin) / (rmx - rmin)
    masked = obs > 0
    sm = jnp.where(masked, jnp.float32(-10000.0), s)

    obs_sum = jnp.sum(obs, axis=1, keepdims=True)
    ist = 1.0 - ish
    p_head = jnp.sum(obs * ish, axis=1, keepdims=True) / obs_sum
    p_tail = jnp.sum(obs * ist, axis=1, keepdims=True) / obs_sum

    key_ref[...] = jnp.where(masked, jnp.int32(-1),
                             lax.bitcast_convert_type(s, jnp.int32))
    key = key_ref[...]

    kth = jnp.full((b, 1), float(_RMAX), jnp.float32)
    v = _kth_largest_key(key, kth)
    c_gt = jnp.sum(jnp.where(key > v, 1.0, 0.0), axis=1, keepdims=True)
    need = float(_RMAX) - c_gt
    iota = lax.broadcasted_iota(jnp.int32, (b, n), 1)
    eq = key == v
    t = _tie_index_threshold(eq, iota, need)
    cand = (key > v) | (eq & (iota <= t))

    base_ref[...] = jnp.where(cand, jnp.float32(1.0 - _LMBDA) * sm,
                              jnp.float32(-jnp.inf))

    ch = jnp.ones((b, 1), jnp.float32)
    ct = jnp.ones((b, 1), jnp.float32)
    picks = []
    for _step in range(_K):
        w = p_head * (ish * ch) + p_tail * (ist * ct)
        comb = base_ref[...] + jnp.float32(_LMBDA) * w
        m = jnp.max(comb, axis=1, keepdims=True)
        idx = jnp.min(jnp.where(comb == m, iota, jnp.int32(n)), axis=1,
                      keepdims=True)
        onehot = iota == idx
        hsel = jnp.sum(jnp.where(onehot, ish, 0.0), axis=1, keepdims=True)
        ch = ch * (1.0 - hsel)
        ct = ct * hsel
        base_ref[...] = jnp.where(onehot, jnp.float32(-jnp.inf), base_ref[...])
        picks.append(idx)
    pad = jnp.zeros((b, 16 - _K), jnp.int32)
    picks_ref[...] = jnp.concatenate(picks + [pad], axis=1)


def kernel(predicted_relevance, observed_relevance, item_popularity, k, rmax,
           head_tail_split):
    u, n = predicted_relevance.shape

    pop2d = item_popularity.reshape(1, n)
    hts = jnp.asarray(head_tail_split, jnp.int32).reshape(1)
    is_head = pl.pallas_call(
        _ishead_kernel,
        grid=(1,),
        in_specs=[
            pl.BlockSpec((1, n), lambda i: (0, 0)),
            pl.BlockSpec(memory_space=pltpu.SMEM),
        ],
        out_specs=pl.BlockSpec((1, n), lambda i: (0, 0)),
        out_shape=jax.ShapeDtypeStruct((1, n), jnp.float32),
    )(pop2d, hts)

    picks = pl.pallas_call(
        _xquad_kernel,
        grid=(u // _BU,),
        in_specs=[
            pl.BlockSpec((_BU, n), lambda i: (i, 0)),
            pl.BlockSpec((_BU, n), lambda i: (i, 0)),
            pl.BlockSpec((1, n), lambda i: (0, 0)),
        ],
        out_specs=pl.BlockSpec((_BU, 16), lambda i: (i, 0)),
        out_shape=jax.ShapeDtypeStruct((u, 16), jnp.int32),
        scratch_shapes=[
            pltpu.VMEM((_BU, n), jnp.int32),
            pltpu.VMEM((_BU, n), jnp.float32),
        ],
    )(predicted_relevance, observed_relevance, is_head)

    items = picks[:, :_K]

    def per_user(items_row):
        def step(out, xs):
            t, item = xs
            out = out.at[item].set((k - (t + 1.0)) / k)
            return out, item

        out, _ = jax.lax.scan(step, jnp.zeros((n,), jnp.float32),
                              (jnp.arange(_K, dtype=jnp.float32), items_row))
        return out

    return jax.vmap(per_user)(items)

# --- scband reference (transcript-rebuilt; emitter-appended) ---
"""Pipeline reference for scband-ranker-xquad-73005854097667 (READ-ONLY COPY).

The authoritative reference and input builder live on the scoring server;
editing this copy changes nothing except your own understanding.
"""

import jax, jax.numpy as jnp
import numpy as np

LMBDA = 0.4

def setup_inputs(seed: int = 0) -> dict:
    key = jax.random.key(seed)
    k1, k2, k3 = jax.random.split(key, 3)
    U, N = 1024, 20000
    predicted_relevance = jax.random.normal(k1, (U, N), dtype=jnp.float32)
    # observed relevance is a sparse binary interaction matrix (~2% density)
    observed_relevance = (jax.random.uniform(k2, (U, N)) < 0.02).astype(jnp.float32)
    item_popularity = jax.random.uniform(k3, (N,), dtype=jnp.float32)
    return {
        "predicted_relevance": predicted_relevance,
        "observed_relevance": observed_relevance,
        "item_popularity": item_popularity,
        "k": 10,
        "rmax": 100,
        "head_tail_split": 280,
    }


def reference(predicted_relevance, observed_relevance, item_popularity, k, rmax, head_tail_split):
    U, N = predicted_relevance.shape
    K = 10
    RMAX = 100
    pop = item_popularity / jnp.sum(item_popularity)
    order = jnp.argsort(-pop)
    ranks = jnp.zeros((N,), jnp.int32).at[order].set(jnp.arange(N, dtype=jnp.int32))
    is_head = (ranks < head_tail_split).astype(jnp.float32)
    is_tail = 1.0 - is_head

    def per_user(scores, observed):
        smin = jnp.min(scores)
        smax = jnp.max(scores)
        s = (scores - smin) / (smax - smin)
        # mask out training (observed) items
        s = jnp.where(observed > 0, -10000.0, s)
        obs_sum = jnp.sum(observed)
        p_head = jnp.sum(observed * is_head) / obs_sum
        p_tail = jnp.sum(observed * is_tail) / obs_sum
        cand_scores, cand_idx = jax.lax.top_k(s, RMAX)
        cand_head = is_head[cand_idx]
        cand_tail = is_tail[cand_idx]

        def step(carry, t):
            out, sel_mask, n_head_sel, n_tail_sel = carry
            # xQuAD coverage term: product over selected of (1 - 1[j in d])
            cover_head = jnp.where(n_head_sel > 0, 0.0, 1.0)
            cover_tail = jnp.where(n_tail_sel > 0, 0.0, 1.0)
            weights = p_head * cand_head * cover_head + p_tail * cand_tail * cover_tail
            comb = (1.0 - LMBDA) * cand_scores + LMBDA * weights
            comb = jnp.where(sel_mask, -jnp.inf, comb)
            best = jnp.argmax(comb)
            item = cand_idx[best]
            out = out.at[item].set((k - (t + 1.0)) / k)
            sel_mask = sel_mask.at[best].set(True)
            n_head_sel = n_head_sel + cand_head[best]
            n_tail_sel = n_tail_sel + cand_tail[best]
            return (out, sel_mask, n_head_sel, n_tail_sel), item

        init = (jnp.zeros((N,), jnp.float32), jnp.zeros((RMAX,), bool), jnp.float32(0.0), jnp.float32(0.0))
        (out, _, _, _), _ = jax.lax.scan(step, init, jnp.arange(K, dtype=jnp.float32))
        out = jnp.where(rmax > 0, out, out)
        return out

    return jax.vmap(per_user)(predicted_relevance, observed_relevance)

if __name__ == "__main__":
    import jax
    _d = setup_inputs()
    print(jax.jit(kernel)(*tuple(_d.values())))

</pallas_src>

<mosaic_0001>
module attributes {stable_mosaic.version = 14 : i64} {
  func.func @_ishead_kernel(%arg0: i32, %arg1: memref<1x20000xf32, #tpu.memory_space<vmem>>, %arg2: memref<1xi32, #tpu.memory_space<smem>>, %arg3: memref<1x20000xf32, #tpu.memory_space<vmem>>) attributes {dimension_semantics = [#tpu.dimension_semantics<arbitrary>], iteration_bounds = array<i64: 1>, scalar_prefetch = 0 : i64, scratch_operands = 0 : i64, tpu.core_type = #tpu.core_type<tc>, window_params = [{pipeline_mode = #tpu.pipeline_mode<synchronous>, transform_indices = @transform_0, window_bounds = array<i64: 1, 20000>}, {transform_indices = @transform_1, window_bounds = array<i64: 1>}, {pipeline_mode = #tpu.pipeline_mode<synchronous>, transform_indices = @transform_2, window_bounds = array<i64: 1, 20000>}]} {
    %get3A = arith.constant 0 : index
    %get3A_0 = arith.constant 0 : index
    %get3A_1 = vector.load %arg1[%get3A, %get3A_0] : memref<1x20000xf32, #tpu.memory_space<vmem>>, vector<1x20000xf32>
    %reduce_sum3A = vector.shape_cast %get3A_1 : vector<1x20000xf32> to vector<1x1x20000xf32>
    %reduce_sum3A_2 = arith.constant dense<0.000000e+00> : vector<1xf32>
    %reduce_sum3A_3 = vector.multi_reduction <add>, %reduce_sum3A, %reduce_sum3A_2 [1, 2] : vector<1x1x20000xf32> to vector<1xf32>
    %reduce_sum3A_4 = vector.shape_cast %reduce_sum3A_3 : vector<1xf32> to vector<1x1x1xf32>
    %reduce_sum3A_5 = vector.extract %reduce_sum3A_4[0, 0, 0] : f32 from vector<1x1x1xf32>
    %div3A = vector.broadcast %reduce_sum3A_5 : f32 to vector<1x20000xf32>
    %div3A_6 = arith.divf %get3A_1, %div3A : vector<1x20000xf32>
    %bitcast_convert_type3A = tpu.bitcast %div3A_6 : vector<1x20000xf32> -> vector<1x20000xi32>
    %get3A_7 = arith.constant 0 : index
    %get3A_8 = memref.load %arg2[%get3A_7] : memref<1xi32, #tpu.memory_space<smem>>
    %convert_element_type3A = arith.sitofp %get3A_8 : i32 to f32
    %broadcast_in_dim3A = arith.constant 1.000000e+00 : f32
    %broadcast_in_dim3A_9 = vector.broadcast %broadcast_in_dim3A : f32 to vector<1x1xf32>
    %mul3A = vector.broadcast %convert_element_type3A : f32 to vector<1x1xf32>
    %mul3A_10 = arith.mulf %broadcast_in_dim3A_9, %mul3A : vector<1x1xf32>
    %broadcast_in_dim3A_11 = arith.constant -2 : i32
    %broadcast_in_dim3A_12 = vector.broadcast %broadcast_in_dim3A_11 : i32 to vector<1x1xi32>
    %broadcast_in_dim3A_13 = arith.constant 1065353217 : i32
    %broadcast_in_dim3A_14 = vector.broadcast %broadcast_in_dim3A_13 : i32 to vector<1x1xi32>
    %scan3A = arith.constant 0 : i32
    %scan3A_15 = arith.constant 31 : i32
    %scan3A_16 = arith.addi %scan3A, %scan3A_15 : i32
    %scan3A_17 = arith.constant 1 : i32
    %scan3A_18:2 = scf.for %scan3A_47 = %scan3A to %scan3A_16 step %scan3A_17 iter_args(%scan3A_48 = %broadcast_in_dim3A_12, %scan3A_49 = %broadcast_in_dim3A_14) -> (vector<1x1xi32>, vector<1x1xi32>)  : i32 {
      %add3A = arith.addi %scan3A_48, %scan3A_49 : vector<1x1xi32>
      %shift_right_arithmetic3A = arith.constant 1 : i32
      %shift_right_arithmetic3A_50 = vector.broadcast %shift_right_arithmetic3A : i32 to vector<1x1xi32>
      %shift_right_arithmetic3A_51 = arith.shrsi %add3A, %shift_right_arithmetic3A_50 : vector<1x1xi32>
      %ge3A = vector.broadcast %shift_right_arithmetic3A_51 : vector<1x1xi32> to vector<1x20000xi32>
      %ge3A_52 = arith.cmpi sge, %bitcast_convert_type3A, %ge3A : vector<1x20000xi32>
      %jit3A_53 = arith.constant 1.000000e+00 : f32
      %jit3A_54 = arith.constant 0.000000e+00 : f32
      %broadcast_in_dim3A_55 = vector.broadcast %jit3A_53 : f32 to vector<1x20000xf32>
      %broadcast_in_dim3A_56 = vector.broadcast %jit3A_54 : f32 to vector<1x20000xf32>
      %select_n3A_57 = arith.select %ge3A_52, %broadcast_in_dim3A_55, %broadcast_in_dim3A_56 : vector<1x20000xi1>, vector<1x20000xf32>
      %reduce_sum3A_58 = arith.constant dense<0.000000e+00> : vector<1xf32>
      %reduce_sum3A_59 = vector.multi_reduction <add>, %select_n3A_57, %reduce_sum3A_58 [1] : vector<1x20000xf32> to vector<1xf32>
      %broadcast_in_dim3A_60 = vector.shape_cast %reduce_sum3A_59 : vector<1xf32> to vector<1x1xf32>
      %ge3A_61 = arith.cmpf oge, %broadcast_in_dim3A_60, %mul3A_10 : vector<1x1xf32>
      %select_n3A_62 = arith.select %ge3A_61, %shift_right_arithmetic3A_51, %scan3A_48 : vector<1x1xi1>, vector<1x1xi32>
      %select_n3A_63 = arith.select %ge3A_61, %scan3A_49, %shift_right_arithmetic3A_51 : vector<1x1xi1>, vector<1x1xi32>
      scf.yield %select_n3A_62, %select_n3A_63 : vector<1x1xi32>, vector<1x1xi32>
    }
    %gt3A = vector.broadcast %scan3A_18#0 : vector<1x1xi32> to vector<1x20000xi32>
    %gt3A_19 = arith.cmpi sgt, %bitcast_convert_type3A, %gt3A : vector<1x20000xi32>
    %jit3A = arith.constant 1.000000e+00 : f32
    %jit3A_20 = arith.constant 0.000000e+00 : f32
    %broadcast_in_dim3A_21 = vector.broadcast %jit3A : f32 to vector<1x20000xf32>
    %broadcast_in_dim3A_22 = vector.broadcast %jit3A_20 : f32 to vector<1x20000xf32>
    %select_n3A = arith.select %gt3A_19, %broadcast_in_dim3A_21, %broadcast_in_dim3A_22 : vector<1x20000xi1>, vector<1x20000xf32>
    %reduce_sum3A_23 = arith.constant dense<0.000000e+00> : vector<1xf32>
    %reduce_sum3A_24 = vector.multi_reduction <add>, %select_n3A, %reduce_sum3A_23 [1] : vector<1x20000xf32> to vector<1xf32>
    %broadcast_in_dim3A_25 = vector.shape_cast %reduce_sum3A_24 : vector<1xf32> to vector<1x1xf32>
    %sub3A = vector.broadcast %convert_element_type3A : f32 to vector<1x1xf32>
    %sub3A_26 = arith.subf %sub3A, %broadcast_in_dim3A_25 : vector<1x1xf32>
    %iota3A = tpu.iota {dimensions = array<i32: 1>} : vector<1x20000xi32>
    %eq3A = vector.broadcast %scan3A_18#0 : vector<1x1xi32> to vector<1x20000xi32>
    %eq3A_27 = arith.cmpi eq, %bitcast_convert_type3A, %eq3A : vector<1x20000xi32>
    %broadcast_in_dim3A_28 = arith.constant -1 : i32
    %broadcast_in_dim3A_29 = vector.broadcast %broadcast_in_dim3A_28 : i32 to vector<1x1xi32>
    %broadcast_in_dim3A_30 = arith.constant 19999 : i32
    %broadcast_in_dim3A_31 = vector.broadcast %broadcast_in_dim3A_30 : i32 to vector<1x1xi32>
    %scan3A_32 = arith.constant 0 : i32
    %scan3A_33 = arith.constant 15 : i32
    %scan3A_34 = arith.addi %scan3A_32, %scan3A_33 : i32
    %scan3A_35 = arith.constant 1 : i32
    %scan3A_36:2 = scf.for %scan3A_47 = %scan3A_32 to %scan3A_34 step %scan3A_35 iter_args(%scan3A_48 = %broadcast_in_dim3A_29, %scan3A_49 = %broadcast_in_dim3A_31) -> (vector<1x1xi32>, vector<1x1xi32>)  : i32 {
      %add3A = arith.addi %scan3A_48, %scan3A_49 : vector<1x1xi32>
      %shift_right_arithmetic3A = arith.constant 1 : i32
      %shift_right_arithmetic3A_50 = vector.broadcast %shift_right_arithmetic3A : i32 to vector<1x1xi32>
      %shift_right_arithmetic3A_51 = arith.shrsi %add3A, %shift_right_arithmetic3A_50 : vector<1x1xi32>
      %le3A_52 = vector.broadcast %shift_right_arithmetic3A_51 : vector<1x1xi32> to vector<1x20000xi32>
      %le3A_53 = arith.cmpi sle, %iota3A, %le3A_52 : vector<1x20000xi32>
      %and3A_54 = arith.andi %eq3A_27, %le3A_53 : vector<1x20000xi1>
      %jit3A_55 = arith.constant 1.000000e+00 : f32
      %jit3A_56 = arith.constant 0.000000e+00 : f32
      %broadcast_in_dim3A_57 = vector.broadcast %jit3A_55 : f32 to vector<1x20000xf32>
      %broadcast_in_dim3A_58 = vector.broadcast %jit3A_56 : f32 to vector<1x20000xf32>
      %select_n3A_59 = arith.select %and3A_54, %broadcast_in_dim3A_57, %broadcast_in_dim3A_58 : vector<1x20000xi1>, vector<1x20000xf32>
      %reduce_sum3A_60 = arith.constant dense<0.000000e+00> : vector<1xf32>
      %reduce_sum3A_61 = vector.multi_reduction <add>, %select_n3A_59, %reduce_sum3A_60 [1] : vector<1x20000xf32> to vector<1xf32>
      %broadcast_in_dim3A_62 = vector.shape_cast %reduce_sum3A_61 : vector<1xf32> to vector<1x1xf32>
      %ge3A = arith.cmpf oge, %broadcast_in_dim3A_62, %sub3A_26 : vector<1x1xf32>
      %select_n3A_63 = arith.select %ge3A, %scan3A_48, %shift_right_arithmetic3A_51 : vector<1x1xi1>, vector<1x1xi32>
      %select_n3A_64 = arith.select %ge3A, %shift_right_arithmetic3A_51, %scan3A_49 : vector<1x1xi1>, vector<1x1xi32>
      scf.yield %select_n3A_63, %select_n3A_64 : vector<1x1xi32>, vector<1x1xi32>
    }
    %gt3A_37 = vector.broadcast %scan3A_18#0 : vector<1x1xi32> to vector<1x20000xi32>
    %gt3A_38 = arith.cmpi sgt, %bitcast_convert_type3A, %gt3A_37 : vector<1x20000xi32>
    %le3A = vector.broadcast %scan3A_36#1 : vector<1x1xi32> to vector<1x20000xi32>
    %le3A_39 = arith.cmpi sle, %iota3A, %le3A : vector<1x20000xi32>
    %and3A = arith.andi %eq3A_27, %le3A_39 : vector<1x20000xi1>
    %or3A = arith.ori %gt3A_38, %and3A : vector<1x20000xi1>
    %jit3A_40 = arith.constant 1.000000e+00 : f32
    %jit3A_41 = arith.constant 0.000000e+00 : f32
    %broadcast_in_dim3A_42 = vector.broadcast %jit3A_40 : f32 to vector<1x20000xf32>
    %broadcast_in_dim3A_43 = vector.broadcast %jit3A_41 : f32 to vector<1x20000xf32>
    %select_n3A_44 = arith.select %or3A, %broadcast_in_dim3A_42, %broadcast_in_dim3A_43 : vector<1x20000xi1>, vector<1x20000xf32>
    %swap3A = arith.constant 0 : index
    %swap3A_45 = arith.constant 0 : index
    %swap3A_46 = vector.load %arg3[%swap3A, %swap3A_45] : memref<1x20000xf32, #tpu.memory_space<vmem>>, vector<1x20000xf32>
    tpu.vector_store %arg3[%swap3A, %swap3A_45], %select_n3A_44 {strides = array<i32>} : memref<1x20000xf32, #tpu.memory_space<vmem>>, vector<1x20000xf32>,
    return
  }
  func.func @transform_0(%arg0: i32) -> (i32, i32) {
    %c0_i32 = arith.constant 0 : i32
    %c0_i32_0 = arith.constant 0 : i32
    %c0_i32_1 = arith.constant 0 : i32
    return %c0_i32, %c0_i32_0 : i32, i32
  }
  func.func @transform_1(%arg0: i32) -> i32 {
    %c0_i32 = arith.constant 0 : i32
    %c0_i32_0 = arith.constant 0 : i32
    return %c0_i32 : i32
  }
  func.func @transform_2(%arg0: i32) -> (i32, i32) {
    %c0_i32 = arith.constant 0 : i32
    %c0_i32_0 = arith.constant 0 : i32
    %c0_i32_1 = arith.constant 0 : i32
    return %c0_i32, %c0_i32_0 : i32, i32
  }
}

module attributes {stable_mosaic.version = 14 : i64} {
  func.func @_xquad_kernel(%arg0: i32, %arg1: memref<8x20000xf32, #tpu.memory_space<vmem>>, %arg2: memref<8x20000xf32, #tpu.memory_space<vmem>>, %arg3: memref<1x20000xf32, #tpu.memory_space<vmem>>, %arg4: memref<8x16xi32, #tpu.memory_space<vmem>>, %arg5: memref<8x20000xi32, #tpu.memory_space<vmem>>, %arg6: memref<8x20000xf32, #tpu.memory_space<vmem>>) attributes {dimension_semantics = [#tpu.dimension_semantics<arbitrary>], iteration_bounds = array<i64: 128>, scalar_prefetch = 0 : i64, scratch_operands = 2 : i64, tpu.core_type = #tpu.core_type<tc>, window_params = [{transform_indices = @transform_0, window_bounds = array<i64: 8, 20000>}, {transform_indices = @transform_1, window_bounds = array<i64: 8, 20000>}, {pipeline_mode = #tpu.pipeline_mode<synchronous>, transform_indices = @transform_2, window_bounds = array<i64: 1, 20000>}, {transform_indices = @transform_3, window_bounds = array<i64: 8, 16>}]} {
    %get3A = arith.constant 0 : index
    %get3A_0 = arith.constant 0 : index
    %get3A_1 = vector.load %arg1[%get3A, %get3A_0] : memref<8x20000xf32, #tpu.memory_space<vmem>>, vector<8x20000xf32>
    %get3A_2 = arith.constant 0 : index
    %get3A_3 = arith.constant 0 : index
    %get3A_4 = vector.load %arg2[%get3A_2, %get3A_3] : memref<8x20000xf32, #tpu.memory_space<vmem>>, vector<8x20000xf32>
    %get3A_5 = arith.constant 0 : index
    %get3A_6 = arith.constant 0 : index
    %get3A_7 = vector.load %arg3[%get3A_5, %get3A_6] : memref<1x20000xf32, #tpu.memory_space<vmem>>, vector<1x20000xf32>
    %reduce_min3A = arith.constant dense<0x7F800000> : vector<8xf32>
    %reduce_min3A_8 = vector.multi_reduction <minimumf>, %get3A_1, %reduce_min3A [1] : vector<8x20000xf32> to vector<8xf32>
    %broadcast_in_dim3A = vector.shape_cast %reduce_min3A_8 : vector<8xf32> to vector<8x1xf32>
    %reduce_max3A = arith.constant dense<0xFF800000> : vector<8xf32>
    %reduce_max3A_9 = vector.multi_reduction <maximumf>, %get3A_1, %reduce_max3A [1] : vector<8x20000xf32> to vector<8xf32>
    %broadcast_in_dim3A_10 = vector.shape_cast %reduce_max3A_9 : vector<8xf32> to vector<8x1xf32>
    %sub3A = vector.broadcast %broadcast_in_dim3A : vector<8x1xf32> to vector<8x20000xf32>
    %sub3A_11 = arith.subf %get3A_1, %sub3A : vector<8x20000xf32>
    %sub3A_12 = arith.subf %broadcast_in_dim3A_10, %broadcast_in_dim3A : vector<8x1xf32>
    %div3A = vector.broadcast %sub3A_12 : vector<8x1xf32> to vector<8x20000xf32>
    %div3A_13 = arith.divf %sub3A_11, %div3A : vector<8x20000xf32>
    %gt3A = arith.constant 0.000000e+00 : f32
    %gt3A_14 = vector.broadcast %gt3A : f32 to vector<8x20000xf32>
    %gt3A_15 = arith.cmpf ogt, %get3A_4, %gt3A_14 : vector<8x20000xf32>
    %jit3A = arith.constant -1.000000e+04 : f32
    %broadcast_in_dim3A_16 = vector.broadcast %jit3A : f32 to vector<8x20000xf32>
    %select_n3A = arith.select %gt3A_15, %broadcast_in_dim3A_16, %div3A_13 : vector<8x20000xi1>, vector<8x20000xf32>
    %reduce_sum3A = arith.constant dense<0.000000e+00> : vector<8xf32>
    %reduce_sum3A_17 = vector.multi_reduction <add>, %get3A_4, %reduce_sum3A [1] : vector<8x20000xf32> to vector<8xf32>
    %broadcast_in_dim3A_18 = vector.shape_cast %reduce_sum3A_17 : vector<8xf32> to vector<8x1xf32>
    %sub3A_19 = arith.constant 1.000000e+00 : f32
    %sub3A_20 = vector.broadcast %sub3A_19 : f32 to vector<1x20000xf32>
    %sub3A_21 = arith.subf %sub3A_20, %get3A_7 : vector<1x20000xf32>
    %mul3A = vector.broadcast %get3A_7 : vector<1x20000xf32> to vector<8x20000xf32>
    %mul3A_22 = arith.mulf %get3A_4, %mul3A : vector<8x20000xf32>
    %reduce_sum3A_23 = arith.constant dense<0.000000e+00> : vector<8xf32>
    %reduce_sum3A_24 = vector.multi_reduction <add>, %mul3A_22, %reduce_sum3A_23 [1] : vector<8x20000xf32> to vector<8xf32>
    %broadcast_in_dim3A_25 = vector.shape_cast %reduce_sum3A_24 : vector<8xf32> to vector<8x1xf32>
    %div3A_26 = arith.divf %broadcast_in_dim3A_25, %broadcast_in_dim3A_18 : vector<8x1xf32>
    %mul3A_27 = vector.broadcast %sub3A_21 : vector<1x20000xf32> to vector<8x20000xf32>
    %mul3A_28 = arith.mulf %get3A_4, %mul3A_27 : vector<8x20000xf32>
    %reduce_sum3A_29 = arith.constant dense<0.000000e+00> : vector<8xf32>
    %reduce_sum3A_30 = vector.multi_reduction <add>, %mul3A_28, %reduce_sum3A_29 [1] : vector<8x20000xf32> to vector<8xf32>
    %broadcast_in_dim3A_31 = vector.shape_cast %reduce_sum3A_30 : vector<8xf32> to vector<8x1xf32>
    %div3A_32 = arith.divf %broadcast_in_dim3A_31, %broadcast_in_dim3A_18 : vector<8x1xf32>
    %bitcast_convert_type3A = tpu.bitcast %div3A_13 : vector<8x20000xf32> -> vector<8x20000xi32>
    %jit3A_33 = arith.constant -1 : i32
    %broadcast_in_dim3A_34 = vector.broadcast %jit3A_33 : i32 to vector<8x20000xi32>
    %select_n3A_35 = arith.select %gt3A_15, %broadcast_in_dim3A_34, %bitcast_convert_type3A : vector<8x20000xi1>, vector<8x20000xi32>
    %swap3A = arith.constant 0 : index
    %swap3A_36 = arith.constant 0 : index
    %swap3A_37 = vector.load %arg5[%swap3A, %swap3A_36] : memref<8x20000xi32, #tpu.memory_space<vmem>>, vector<8x20000xi32>
    tpu.vector_store %arg5[%swap3A, %swap3A_36], %select_n3A_35 {strides = array<i32>} : memref<8x20000xi32, #tpu.memory_space<vmem>>, vector<8x20000xi32>,
    %get3A_38 = arith.constant 0 : index
    %get3A_39 = arith.constant 0 : index
    %get3A_40 = vector.load %arg5[%get3A_38, %get3A_39] : memref<8x20000xi32, #tpu.memory_space<vmem>>, vector<8x20000xi32>
    %broadcast_in_dim3A_41 = arith.constant 1.000000e+02 : f32
    %broadcast_in_dim3A_42 = vector.broadcast %broadcast_in_dim3A_41 : f32 to vector<8x1xf32>
    %broadcast_in_dim3A_43 = arith.constant -2 : i32
    %broadcast_in_dim3A_44 = vector.broadcast %broadcast_in_dim3A_43 : i32 to vector<8x1xi32>
    %broadcast_in_dim3A_45 = arith.constant 1065353217 : i32
    %broadcast_in_dim3A_46 = vector.broadcast %broadcast_in_dim3A_45 : i32 to vector<8x1xi32>
    %scan3A = arith.constant 0 : i32
    %scan3A_47 = arith.constant 31 : i32
    %scan3A_48 = arith.addi %scan3A, %scan3A_47 : i32
    %scan3A_49 = arith.constant 1 : i32
    %scan3A_50:2 = scf.for %scan3A_611 = %scan3A to %scan3A_48 step %scan3A_49 iter_args(%scan3A_612 = %broadcast_in_dim3A_44, %scan3A_613 = %broadcast_in_dim3A_46) -> (vector<8x1xi32>, vector<8x1xi32>)  : i32 {
      %add3A_614 = arith.addi %scan3A_612, %scan3A_613 : vector<8x1xi32>
      %shift_right_arithmetic3A = arith.constant 1 : i32
      %shift_right_arithmetic3A_615 = vector.broadcast %shift_right_arithmetic3A : i32 to vector<8x1xi32>
      %shift_right_arithmetic3A_616 = arith.shrsi %add3A_614, %shift_right_arithmetic3A_615 : vector<8x1xi32>
      %ge3A = vector.broadcast %shift_right_arithmetic3A_616 : vector<8x1xi32> to vector<8x20000xi32>
      %ge3A_617 = arith.cmpi sge, %get3A_40, %ge3A : vector<8x20000xi32>
      %jit3A_618 = arith.constant 1.000000e+00 : f32
      %jit3A_619 = arith.constant 0.000000e+00 : f32
      %broadcast_in_dim3A_620 = vector.broadcast %jit3A_618 : f32 to vector<8x20000xf32>
      %broadcast_in_dim3A_621 = vector.broadcast %jit3A_619 : f32 to vector<8x20000xf32>
      %select_n3A_622 = arith.select %ge3A_617, %broadcast_in_dim3A_620, %broadcast_in_dim3A_621 : vector<8x20000xi1>, vector<8x20000xf32>
      %reduce_sum3A_623 = arith.constant dense<0.000000e+00> : vector<8xf32>
      %reduce_sum3A_624 = vector.multi_reduction <add>, %select_n3A_622, %reduce_sum3A_623 [1] : vector<8x20000xf32> to vector<8xf32>
      %broadcast_in_dim3A_625 = vector.shape_cast %reduce_sum3A_624 : vector<8xf32> to vector<8x1xf32>
      %ge3A_626 = arith.cmpf oge, %broadcast_in_dim3A_625, %broadcast_in_dim3A_42 : vector<8x1xf32>
      %select_n3A_627 = arith.select %ge3A_626, %shift_right_arithmetic3A_616, %scan3A_612 : vector<8x1xi1>, vector<8x1xi32>
      %select_n3A_628 = arith.select %ge3A_626, %scan3A_613, %shift_right_arithmetic3A_616 : vector<8x1xi1>, vector<8x1xi32>
      scf.yield %select_n3A_627, %select_n3A_628 : vector<8x1xi32>, vector<8x1xi32>
    }
    %gt3A_51 = vector.broadcast %scan3A_50#0 : vector<8x1xi32> to vector<8x20000xi32>
    %gt3A_52 = arith.cmpi sgt, %get3A_40, %gt3A_51 : vector<8x20000xi32>
    %jit3A_53 = arith.constant 1.000000e+00 : f32
    %jit3A_54 = arith.constant 0.000000e+00 : f32
    %broadcast_in_dim3A_55 = vector.broadcast %jit3A_53 : f32 to vector<8x20000xf32>
    %broadcast_in_dim3A_56 = vector.broadcast %jit3A_54 : f32 to vector<8x20000xf32>
    %select_n3A_57 = arith.select %gt3A_52, %broadcast_in_dim3A_55, %broadcast_in_dim3A_56 : vector<8x20000xi1>, vector<8x20000xf32>
    %reduce_sum3A_58 = arith.constant dense<0.000000e+00> : vector<8xf32>
    %reduce_sum3A_59 = vector.multi_reduction <add>, %select_n3A_57, %reduce_sum3A_58 [1] : vector<8x20000xf32> to vector<8xf32>
    %broadcast_in_dim3A_60 = vector.shape_cast %reduce_sum3A_59 : vector<8xf32> to vector<8x1xf32>
    %sub3A_61 = arith.constant 1.000000e+02 : f32
    %sub3A_62 = vector.broadcast %sub3A_61 : f32 to vector<8x1xf32>
    %sub3A_63 = arith.subf %sub3A_62, %broadcast_in_dim3A_60 : vector<8x1xf32>
    %iota3A = tpu.iota {dimensions = array<i32: 1>} : vector<8x20000xi32>
    %eq3A = vector.broadcast %scan3A_50#0 : vector<8x1xi32> to vector<8x20000xi32>
    %eq3A_64 = arith.cmpi eq, %get3A_40, %eq3A : vector<8x20000xi32>
    %broadcast_in_dim3A_65 = arith.constant -1 : i32
    %broadcast_in_dim3A_66 = vector.broadcast %broadcast_in_dim3A_65 : i32 to vector<8x1xi32>
    %broadcast_in_dim3A_67 = arith.constant 19999 : i32
    %broadcast_in_dim3A_68 = vector.broadcast %broadcast_in_dim3A_67 : i32 to vector<8x1xi32>
    %scan3A_69 = arith.constant 0 : i32
    %scan3A_70 = arith.constant 15 : i32
    %scan3A_71 = arith.addi %scan3A_69, %scan3A_70 : i32
    %scan3A_72 = arith.constant 1 : i32
    %scan3A_73:2 = scf.for %scan3A_611 = %scan3A_69 to %scan3A_71 step %scan3A_72 iter_args(%scan3A_612 = %broadcast_in_dim3A_66, %scan3A_613 = %broadcast_in_dim3A_68) -> (vector<8x1xi32>, vector<8x1xi32>)  : i32 {
      %add3A_614 = arith.addi %scan3A_612, %scan3A_613 : vector<8x1xi32>
      %shift_right_arithmetic3A = arith.constant 1 : i32
      %shift_right_arithmetic3A_615 = vector.broadcast %shift_right_arithmetic3A : i32 to vector<8x1xi32>
      %shift_right_arithmetic3A_616 = arith.shrsi %add3A_614, %shift_right_arithmetic3A_615 : vector<8x1xi32>
      %le3A_617 = vector.broadcast %shift_right_arithmetic3A_616 : vector<8x1xi32> to vector<8x20000xi32>
      %le3A_618 = arith.cmpi sle, %iota3A, %le3A_617 : vector<8x20000xi32>
      %and3A_619 = arith.andi %eq3A_64, %le3A_618 : vector<8x20000xi1>
      %jit3A_620 = arith.constant 1.000000e+00 : f32
      %jit3A_621 = arith.constant 0.000000e+00 : f32
      %broadcast_in_dim3A_622 = vector.broadcast %jit3A_620 : f32 to vector<8x20000xf32>
      %broadcast_in_dim3A_623 = vector.broadcast %jit3A_621 : f32 to vector<8x20000xf32>
      %select_n3A_624 = arith.select %and3A_619, %broadcast_in_dim3A_622, %broadcast_in_dim3A_623 : vector<8x20000xi1>, vector<8x20000xf32>
      %reduce_sum3A_625 = arith.constant dense<0.000000e+00> : vector<8xf32>
      %reduce_sum3A_626 = vector.multi_reduction <add>, %select_n3A_624, %reduce_sum3A_625 [1] : vector<8x20000xf32> to vector<8xf32>
      %broadcast_in_dim3A_627 = vector.shape_cast %reduce_sum3A_626 : vector<8xf32> to vector<8x1xf32>
      %ge3A = arith.cmpf oge, %broadcast_in_dim3A_627, %sub3A_63 : vector<8x1xf32>
      %select_n3A_628 = arith.select %ge3A, %scan3A_612, %shift_right_arithmetic3A_616 : vector<8x1xi1>, vector<8x1xi32>
      %select_n3A_629 = arith.select %ge3A, %shift_right_arithmetic3A_616, %scan3A_613 : vector<8x1xi1>, vector<8x1xi32>
      scf.yield %select_n3A_628, %select_n3A_629 : vector<8x1xi32>, vector<8x1xi32>
    }
    %gt3A_74 = vector.broadcast %scan3A_50#0 : vector<8x1xi32> to vector<8x20000xi32>
    %gt3A_75 = arith.cmpi sgt, %get3A_40, %gt3A_74 : vector<8x20000xi32>
    %le3A = vector.broadcast %scan3A_73#1 : vector<8x1xi32> to vector<8x20000xi32>
    %le3A_76 = arith.cmpi sle, %iota3A, %le3A : vector<8x20000xi32>
    %and3A = arith.andi %eq3A_64, %le3A_76 : vector<8x20000xi1>
    %or3A = arith.ori %gt3A_75, %and3A : vector<8x20000xi1>
    %mul3A_77 = arith.constant 6.000000e-01 : f32
    %mul3A_78 = vector.broadcast %mul3A_77 : f32 to vector<8x20000xf32>
    %mul3A_79 = arith.mulf %mul3A_78, %select_n3A : vector<8x20000xf32>
    %jit3A_80 = arith.constant 0xFF800000 : f32
    %broadcast_in_dim3A_81 = vector.broadcast %jit3A_80 : f32 to vector<8x20000xf32>
    %select_n3A_82 = arith.select %or3A, %mul3A_79, %broadcast_in_dim3A_81 : vector<8x20000xi1>, vector<8x20000xf32>
    %swap3A_83 = arith.constant 0 : index
    %swap3A_84 = arith.constant 0 : index
    %swap3A_85 = vector.load %arg6[%swap3A_83, %swap3A_84] : memref<8x20000xf32, #tpu.memory_space<vmem>>, vector<8x20000xf32>
    tpu.vector_store %arg6[%swap3A_83, %swap3A_84], %select_n3A_82 {strides = array<i32>} : memref<8x20000xf32, #tpu.memory_space<vmem>>, vector<8x20000xf32>,
    %broadcast_in_dim3A_86 = arith.constant 1.000000e+00 : f32
    %broadcast_in_dim3A_87 = vector.broadcast %broadcast_in_dim3A_86 : f32 to vector<8x1xf32>
    %broadcast_in_dim3A_88 = arith.constant 1.000000e+00 : f32
    %broadcast_in_dim3A_89 = vector.broadcast %broadcast_in_dim3A_88 : f32 to vector<8x1xf32>
    %mul3A_90 = vector.broadcast %get3A_7 : vector<1x20000xf32> to vector<8x20000xf32>
    %mul3A_91 = vector.broadcast %broadcast_in_dim3A_87 : vector<8x1xf32> to vector<8x20000xf32>
    %mul3A_92 = arith.mulf %mul3A_90, %mul3A_91 : vector<8x20000xf32>
    %mul3A_93 = vector.broadcast %div3A_26 : vector<8x1xf32> to vector<8x20000xf32>
    %mul3A_94 = arith.mulf %mul3A_93, %mul3A_92 : vector<8x20000xf32>
    %mul3A_95 = vector.broadcast %sub3A_21 : vector<1x20000xf32> to vector<8x20000xf32>
    %mul3A_96 = vector.broadcast %broadcast_in_dim3A_89 : vector<8x1xf32> to vector<8x20000xf32>
    %mul3A_97 = arith.mulf %mul3A_95, %mul3A_96 : vector<8x20000xf32>
    %mul3A_98 = vector.broadcast %div3A_32 : vector<8x1xf32> to vector<8x20000xf32>
    %mul3A_99 = arith.mulf %mul3A_98, %mul3A_97 : vector<8x20000xf32>
    %add3A = arith.addf %mul3A_94, %mul3A_99 : vector<8x20000xf32>
    %get3A_100 = arith.constant 0 : index
    %get3A_101 = arith.constant 0 : index
    %get3A_102 = vector.load %arg6[%get3A_100, %get3A_101] : memref<8x20000xf32, #tpu.memory_space<vmem>>, vector<8x20000xf32>
    %mul3A_103 = arith.constant 4.000000e-01 : f32
    %mul3A_104 = vector.broadcast %mul3A_103 : f32 to vector<8x20000xf32>
    %mul3A_105 = arith.mulf %mul3A_104, %add3A : vector<8x20000xf32>
    %add3A_106 = arith.addf %get3A_102, %mul3A_105 : vector<8x20000xf32>
    %reduce_max3A_107 = arith.constant dense<0xFF800000> : vector<8xf32>
    %reduce_max3A_108 = vector.multi_reduction <maximumf>, %add3A_106, %reduce_max3A_107 [1] : vector<8x20000xf32> to vector<8xf32>
    %broadcast_in_dim3A_109 = vector.shape_cast %reduce_max3A_108 : vector<8xf32> to vector<8x1xf32>
    %eq3A_110 = vector.broadcast %broadcast_in_dim3A_109 : vector<8x1xf32> to vector<8x20000xf32>
    %eq3A_111 = arith.cmpf oeq, %add3A_106, %eq3A_110 : vector<8x20000xf32>
    %jit3A_112 = arith.constant 20000 : i32
    %broadcast_in_dim3A_113 = vector.broadcast %jit3A_112 : i32 to vector<8x20000xi32>
    %select_n3A_114 = arith.select %eq3A_111, %iota3A, %broadcast_in_dim3A_113 : vector<8x20000xi1>, vector<8x20000xi32>
    %reduce_min3A_115 = arith.constant dense<2147483647> : vector<8xi32>
    %reduce_min3A_116 = vector.multi_reduction <minsi>, %select_n3A_114, %reduce_min3A_115 [1] : vector<8x20000xi32> to vector<8xi32>
    %broadcast_in_dim3A_117 = vector.shape_cast %reduce_min3A_116 : vector<8xi32> to vector<8x1xi32>
    %eq3A_118 = vector.broadcast %broadcast_in_dim3A_117 : vector<8x1xi32> to vector<8x20000xi32>
    %eq3A_119 = arith.cmpi eq, %iota3A, %eq3A_118 : vector<8x20000xi32>
    %jit3A_120 = arith.constant 0.000000e+00 : f32
    %broadcast_in_dim3A_121 = vector.shape_cast %get3A_7 : vector<1x20000xf32> to vector<1x20000xf32>
    %broadcast_in_dim3A_122 = vector.broadcast %broadcast_in_dim3A_121 : vector<1x20000xf32> to vector<8x20000xf32>
    %broadcast_in_dim3A_123 = vector.broadcast %jit3A_120 : f32 to vector<8x20000xf32>
    %select_n3A_124 = arith.select %eq3A_119, %broadcast_in_dim3A_122, %broadcast_in_dim3A_123 : vector<8x20000xi1>, vector<8x20000xf32>
    %reduce_sum3A_125 = arith.constant dense<0.000000e+00> : vector<8xf32>
    %reduce_sum3A_126 = vector.multi_reduction <add>, %select_n3A_124, %reduce_sum3A_125 [1] : vector<8x20000xf32> to vector<8xf32>
    %broadcast_in_dim3A_127 = vector.shape_cast %reduce_sum3A_126 : vector<8xf32> to vector<8x1xf32>
    %sub3A_128 = arith.constant 1.000000e+00 : f32
    %sub3A_129 = vector.broadcast %sub3A_128 : f32 to vector<8x1xf32>
    %sub3A_130 = arith.subf %sub3A_129, %broadcast_in_dim3A_127 : vector<8x1xf32>
    %mul3A_131 = arith.mulf %broadcast_in_dim3A_87, %sub3A_130 : vector<8x1xf32>
    %mul3A_132 = arith.mulf %broadcast_in_dim3A_89, %broadcast_in_dim3A_127 : vector<8x1xf32>
    %get3A_133 = arith.constant 0 : index
    %get3A_134 = arith.constant 0 : index
    %get3A_135 = vector.load %arg6[%get3A_133, %get3A_134] : memref<8x20000xf32, #tpu.memory_space<vmem>>, vector<8x20000xf32>
    %jit3A_136 = arith.constant 0xFF800000 : f32
    %broadcast_in_dim3A_137 = vector.broadcast %jit3A_136 : f32 to vector<8x20000xf32>
    %select_n3A_138 = arith.select %eq3A_119, %broadcast_in_dim3A_137, %get3A_135 : vector<8x20000xi1>, vector<8x20000xf32>
    %swap3A_139 = arith.constant 0 : index
    %swap3A_140 = arith.constant 0 : index
    %swap3A_141 = vector.load %arg6[%swap3A_139, %swap3A_140] : memref<8x20000xf32, #tpu.memory_space<vmem>>, vector<8x20000xf32>
    tpu.vector_store %arg6[%swap3A_139, %swap3A_140], %select_n3A_138 {strides = array<i32>} : memref<8x20000xf32, #tpu.memory_space<vmem>>, vector<8x20000xf32>,
    %mul3A_142 = vector.broadcast %get3A_7 : vector<1x20000xf32> to vector<8x20000xf32>
    %mul3A_143 = vector.broadcast %mul3A_131 : vector<8x1xf32> to vector<8x20000xf32>
    %mul3A_144 = arith.mulf %mul3A_142, %mul3A_143 : vector<8x20000xf32>
    %mul3A_145 = vector.broadcast %div3A_26 : vector<8x1xf32> to vector<8x20000xf32>
    %mul3A_146 = arith.mulf %mul3A_145, %mul3A_144 : vector<8x20000xf32>
    %mul3A_147 = vector.broadcast %sub3A_21 : vector<1x20000xf32> to vector<8x20000xf32>
    %mul3A_148 = vector.broadcast %mul3A_132 : vector<8x1xf32> to vector<8x20000xf32>
    %mul3A_149 = arith.mulf %mul3A_147, %mul3A_148 : vector<8x20000xf32>
    %mul3A_150 = vector.broadcast %div3A_32 : vector<8x1xf32> to vector<8x20000xf32>
    %mul3A_151 = arith.mulf %mul3A_150, %mul3A_149 : vector<8x20000xf32>
    %add3A_152 = arith.addf %mul3A_146, %mul3A_151 : vector<8x20000xf32>
    %get3A_153 = arith.constant 0 : index
    %get3A_154 = arith.constant 0 : index
    %get3A_155 = vector.load %arg6[%get3A_153, %get3A_154] : memref<8x20000xf32, #tpu.memory_space<vmem>>, vector<8x20000xf32>
    %mul3A_156 = arith.constant 4.000000e-01 : f32
    %mul3A_157 = vector.broadcast %mul3A_156 : f32 to vector<8x20000xf32>
    %mul3A_158 = arith.mulf %mul3A_157, %add3A_152 : vector<8x20000xf32>
    %add3A_159 = arith.addf %get3A_155, %mul3A_158 : vector<8x20000xf32>
    %reduce_max3A_160 = arith.constant dense<0xFF800000> : vector<8xf32>
    %reduce_max3A_161 = vector.multi_reduction <maximumf>, %add3A_159, %reduce_max3A_160 [1] : vector<8x20000xf32> to vector<8xf32>
    %broadcast_in_dim3A_162 = vector.shape_cast %reduce_max3A_161 : vector<8xf32> to vector<8x1xf32>
    %eq3A_163 = vector.broadcast %broadcast_in_dim3A_162 : vector<8x1xf32> to vector<8x20000xf32>
    %eq3A_164 = arith.cmpf oeq, %add3A_159, %eq3A_163 : vector<8x20000xf32>
    %jit3A_165 = arith.constant 20000 : i32
    %broadcast_in_dim3A_166 = vector.broadcast %jit3A_165 : i32 to vector<8x20000xi32>
    %select_n3A_167 = arith.select %eq3A_164, %iota3A, %broadcast_in_dim3A_166 : vector<8x20000xi1>, vector<8x20000xi32>
    %reduce_min3A_168 = arith.constant dense<2147483647> : vector<8xi32>
    %reduce_min3A_169 = vector.multi_reduction <minsi>, %select_n3A_167, %reduce_min3A_168 [1] : vector<8x20000xi32> to vector<8xi32>
    %broadcast_in_dim3A_170 = vector.shape_cast %reduce_min3A_169 : vector<8xi32> to vector<8x1xi32>
    %eq3A_171 = vector.broadcast %broadcast_in_dim3A_170 : vector<8x1xi32> to vector<8x20000xi32>
    %eq3A_172 = arith.cmpi eq, %iota3A, %eq3A_171 : vector<8x20000xi32>
    %jit3A_173 = arith.constant 0.000000e+00 : f32
    %broadcast_in_dim3A_174 = vector.shape_cast %get3A_7 : vector<1x20000xf32> to vector<1x20000xf32>
    %broadcast_in_dim3A_175 = vector.broadcast %broadcast_in_dim3A_174 : vector<1x20000xf32> to vector<8x20000xf32>
    %broadcast_in_dim3A_176 = vector.broadcast %jit3A_173 : f32 to vector<8x20000xf32>
    %select_n3A_177 = arith.select %eq3A_172, %broadcast_in_dim3A_175, %broadcast_in_dim3A_176 : vector<8x20000xi1>, vector<8x20000xf32>
    %reduce_sum3A_178 = arith.constant dense<0.000000e+00> : vector<8xf32>
    %reduce_sum3A_179 = vector.multi_reduction <add>, %select_n3A_177, %reduce_sum3A_178 [1] : vector<8x20000xf32> to vector<8xf32>
    %broadcast_in_dim3A_180 = vector.shape_cast %reduce_sum3A_179 : vector<8xf32> to vector<8x1xf32>
    %sub3A_181 = arith.constant 1.000000e+00 : f32
    %sub3A_182 = vector.broadcast %sub3A_181 : f32 to vector<8x1xf32>
    %sub3A_183 = arith.subf %sub3A_182, %broadcast_in_dim3A_180 : vector<8x1xf32>
    %mul3A_184 = arith.mulf %mul3A_131, %sub3A_183 : vector<8x1xf32>
    %mul3A_185 = arith.mulf %mul3A_132, %broadcast_in_dim3A_180 : vector<8x1xf32>
    %get3A_186 = arith.constant 0 : index
    %get3A_187 = arith.constant 0 : index
    %get3A_188 = vector.load %arg6[%get3A_186, %get3A_187] : memref<8x20000xf32, #tpu.memory_space<vmem>>, vector<8x20000xf32>
    %jit3A_189 = arith.constant 0xFF800000 : f32
    %broadcast_in_dim3A_190 = vector.broadcast %jit3A_189 : f32 to vector<8x20000xf32>
    %select_n3A_191 = arith.select %eq3A_172, %broadcast_in_dim3A_190, %get3A_188 : vector<8x20000xi1>, vector<8x20000xf32>
    %swap3A_192 = arith.constant 0 : index
    %swap3A_193 = arith.constant 0 : index
    %swap3A_194 = vector.load %arg6[%swap3A_192, %swap3A_193] : memref<8x20000xf32, #tpu.memory_space<vmem>>, vector<8x20000xf32>
    tpu.vector_store %arg6[%swap3A_192, %swap3A_193], %select_n3A_191 {strides = array<i32>} : memref<8x20000xf32, #tpu.memory_space<vmem>>, vector<8x20000xf32>,
    %mul3A_195 = vector.broadcast %get3A_7 : vector<1x20000xf32> to vector<8x20000xf32>
    %mul3A_196 = vector.broadcast %mul3A_184 : vector<8x1xf32> to vector<8x20000xf32>
    %mul3A_197 = arith.mulf %mul3A_195, %mul3A_196 : vector<8x20000xf32>
    %mul3A_198 = vector.broadcast %div3A_26 : vector<8x1xf32> to vector<8x20000xf32>
    %mul3A_199 = arith.mulf %mul3A_198, %mul3A_197 : vector<8x20000xf32>
    %mul3A_200 = vector.broadcast %sub3A_21 : vector<1x20000xf32> to vector<8x20000xf32>
    %mul3A_201 = vector.broadcast %mul3A_185 : vector<8x1xf32> to vector<8x20000xf32>
    %mul3A_202 = arith.mulf %mul3A_200, %mul3A_201 : vector<8x20000xf32>
    %mul3A_203 = vector.broadcast %div3A_32 : vector<8x1xf32> to vector<8x20000xf32>
    %mul3A_204 = arith.mulf %mul3A_203, %mul3A_202 : vector<8x20000xf32>
    %add3A_205 = arith.addf %mul3A_199, %mul3A_204 : vector<8x20000xf32>
    %get3A_206 = arith.constant 0 : index
    %get3A_207 = arith.constant 0 : index
    %get3A_208 = vector.load %arg6[%get3A_206, %get3A_207] : memref<8x20000xf32, #tpu.memory_space<vmem>>, vector<8x20000xf32>
    %mul3A_209 = arith.constant 4.000000e-01 : f32
    %mul3A_210 = vector.broadcast %mul3A_209 : f32 to vector<8x20000xf32>
    %mul3A_211 = arith.mulf %mul3A_210, %add3A_205 : vector<8x20000xf32>
    %add3A_212 = arith.addf %get3A_208, %mul3A_211 : vector<8x20000xf32>
    %reduce_max3A_213 = arith.constant dense<0xFF800000> : vector<8xf32>
    %reduce_max3A_214 = vector.multi_reduction <maximumf>, %add3A_212, %reduce_max3A_213 [1] : vector<8x20000xf32> to vector<8xf32>
    %broadcast_in_dim3A_215 = vector.shape_cast %reduce_max3A_214 : vector<8xf32> to vector<8x1xf32>
    %eq3A_216 = vector.broadcast %broadcast_in_dim3A_215 : vector<8x1xf32> to vector<8x20000xf32>
    %eq3A_217 = arith.cmpf oeq, %add3A_212, %eq3A_216 : vector<8x20000xf32>
    %jit3A_218 = arith.constant 20000 : i32
    %broadcast_in_dim3A_219 = vector.broadcast %jit3A_218 : i32 to vector<8x20000xi32>
    %select_n3A_220 = arith.select %eq3A_217, %iota3A, %broadcast_in_dim3A_219 : vector<8x20000xi1>, vector<8x20000xi32>
    %reduce_min3A_221 = arith.constant dense<2147483647> : vector<8xi32>
    %reduce_min3A_222 = vector.multi_reduction <minsi>, %select_n3A_220, %reduce_min3A_221 [1] : vector<8x20000xi32> to vector<8xi32>
    %broadcast_in_dim3A_223 = vector.shape_cast %reduce_min3A_222 : vector<8xi32> to vector<8x1xi32>
    %eq3A_224 = vector.broadcast %broadcast_in_dim3A_223 : vector<8x1xi32> to vector<8x20000xi32>
    %eq3A_225 = arith.cmpi eq, %iota3A, %eq3A_224 : vector<8x20000xi32>
    %jit3A_226 = arith.constant 0.000000e+00 : f32
    %broadcast_in_dim3A_227 = vector.shape_cast %get3A_7 : vector<1x20000xf32> to vector<1x20000xf32>
    %broadcast_in_dim3A_228 = vector.broadcast %broadcast_in_dim3A_227 : vector<1x20000xf32> to vector<8x20000xf32>
    %broadcast_in_dim3A_229 = vector.broadcast %jit3A_226 : f32 to vector<8x20000xf32>
    %select_n3A_230 = arith.select %eq3A_225, %broadcast_in_dim3A_228, %broadcast_in_dim3A_229 : vector<8x20000xi1>, vector<8x20000xf32>
    %reduce_sum3A_231 = arith.constant dense<0.000000e+00> : vector<8xf32>
    %reduce_sum3A_232 = vector.multi_reduction <add>, %select_n3A_230, %reduce_sum3A_231 [1] : vector<8x20000xf32> to vector<8xf32>
    %broadcast_in_dim3A_233 = vector.shape_cast %reduce_sum3A_232 : vector<8xf32> to vector<8x1xf32>
    %sub3A_234 = arith.constant 1.000000e+00 : f32
    %sub3A_235 = vector.broadcast %sub3A_234 : f32 to vector<8x1xf32>
    %sub3A_236 = arith.subf %sub3A_235, %broadcast_in_dim3A_233 : vector<8x1xf32>
    %mul3A_237 = arith.mulf %mul3A_184, %sub3A_236 : vector<8x1xf32>
    %mul3A_238 = arith.mulf %mul3A_185, %broadcast_in_dim3A_233 : vector<8x1xf32>
    %get3A_239 = arith.constant 0 : index
    %get3A_240 = arith.constant 0 : index
    %get3A_241 = vector.load %arg6[%get3A_239, %get3A_240] : memref<8x20000xf32, #tpu.memory_space<vmem>>, vector<8x20000xf32>
    %jit3A_242 = arith.constant 0xFF800000 : f32
    %broadcast_in_dim3A_243 = vector.broadcast %jit3A_242 : f32 to vector<8x20000xf32>
    %select_n3A_244 = arith.select %eq3A_225, %broadcast_in_dim3A_243, %get3A_241 : vector<8x20000xi1>, vector<8x20000xf32>
    %swap3A_245 = arith.constant 0 : index
    %swap3A_246 = arith.constant 0 : index
    %swap3A_247 = vector.load %arg6[%swap3A_245, %swap3A_246] : memref<8x20000xf32, #tpu.memory_space<vmem>>, vector<8x20000xf32>
    tpu.vector_store %arg6[%swap3A_245, %swap3A_246], %select_n3A_244 {strides = array<i32>} : memref<8x20000xf32, #tpu.memory_space<vmem>>, vector<8x20000xf32>,
    %mul3A_248 = vector.broadcast %get3A_7 : vector<1x20000xf32> to vector<8x20000xf32>
    %mul3A_249 = vector.broadcast %mul3A_237 : vector<8x1xf32> to vector<8x20000xf32>
    %mul3A_250 = arith.mulf %mul3A_248, %mul3A_249 : vector<8x20000xf32>
    %mul3A_251 = vector.broadcast %div3A_26 : vector<8x1xf32> to vector<8x20000xf32>
    %mul3A_252 = arith.mulf %mul3A_251, %mul3A_250 : vector<8x20000xf32>
    %mul3A_253 = vector.broadcast %sub3A_21 : vector<1x20000xf32> to vector<8x20000xf32>
    %mul3A_254 = vector.broadcast %mul3A_238 : vector<8x1xf32> to vector<8x20000xf32>
    %mul3A_255 = arith.mulf %mul3A_253, %mul3A_254 : vector<8x20000xf32>
    %mul3A_256 = vector.broadcast %div3A_32 : vector<8x1xf32> to vector<8x20000xf32>
    %mul3A_257 = arith.mulf %mul3A_256, %mul3A_255 : vector<8x20000xf32>
    %add3A_258 = arith.addf %mul3A_252, %mul3A_257 : vector<8x20000xf32>
    %get3A_259 = arith.constant 0 : index
    %get3A_260 = arith.constant 0 : index
    %get3A_261 = vector.load %arg6[%get3A_259, %get3A_260] : memref<8x20000xf32, #tpu.memory_space<vmem>>, vector<8x20000xf32>
    %mul3A_262 = arith.constant 4.000000e-01 : f32
    %mul3A_263 = vector.broadcast %mul3A_262 : f32 to vector<8x20000xf32>
    %mul3A_264 = arith.mulf %mul3A_263, %add3A_258 : vector<8x20000xf32>
    %add3A_265 = arith.addf %get3A_261, %mul3A_264 : vector<8x20000xf32>
    %reduce_max3A_266 = arith.constant dense<0xFF800000> : vector<8xf32>
    %reduce_max3A_267 = vector.multi_reduction <maximumf>, %add3A_265, %reduce_max3A_266 [1] : vector<8x20000xf32> to vector<8xf32>
    %broadcast_in_dim3A_268 = vector.shape_cast %reduce_max3A_267 : vector<8xf32> to vector<8x1xf32>
    %eq3A_269 = vector.broadcast %broadcast_in_dim3A_268 : vector<8x1xf32> to vector<8x20000xf32>
    %eq3A_270 = arith.cmpf oeq, %add3A_265, %eq3A_269 : vector<8x20000xf32>
    %jit3A_271 = arith.constant 20000 : i32
    %broadcast_in_dim3A_272 = vector.broadcast %jit3A_271 : i32 to vector<8x20000xi32>
    %select_n3A_273 = arith.select %eq3A_270, %iota3A, %broadcast_in_dim3A_272 : vector<8x20000xi1>, vector<8x20000xi32>
    %reduce_min3A_274 = arith.constant dense<2147483647> : vector<8xi32>
    %reduce_min3A_275 = vector.multi_reduction <minsi>, %select_n3A_273, %reduce_min3A_274 [1] : vector<8x20000xi32> to vector<8xi32>
    %broadcast_in_dim3A_276 = vector.shape_cast %reduce_min3A_275 : vector<8xi32> to vector<8x1xi32>
    %eq3A_277 = vector.broadcast %broadcast_in_dim3A_276 : vector<8x1xi32> to vector<8x20000xi32>
    %eq3A_278 = arith.cmpi eq, %iota3A, %eq3A_277 : vector<8x20000xi32>
    %jit3A_279 = arith.constant 0.000000e+00 : f32
    %broadcast_in_dim3A_280 = vector.shape_cast %get3A_7 : vector<1x20000xf32> to vector<1x20000xf32>
    %broadcast_in_dim3A_281 = vector.broadcast %broadcast_in_dim3A_280 : vector<1x20000xf32> to vector<8x20000xf32>
    %broadcast_in_dim3A_282 = vector.broadcast %jit3A_279 : f32 to vector<8x20000xf32>
    %select_n3A_283 = arith.select %eq3A_278, %broadcast_in_dim3A_281, %broadcast_in_dim3A_282 : vector<8x20000xi1>, vector<8x20000xf32>
    %reduce_sum3A_284 = arith.constant dense<0.000000e+00> : vector<8xf32>
    %reduce_sum3A_285 = vector.multi_reduction <add>, %select_n3A_283, %reduce_sum3A_284 [1] : vector<8x20000xf32> to vector<8xf32>
    %broadcast_in_dim3A_286 = vector.shape_cast %reduce_sum3A_285 : vector<8xf32> to vector<8x1xf32>
    %sub3A_287 = arith.constant 1.000000e+00 : f32
    %sub3A_288 = vector.broadcast %sub3A_287 : f32 to vector<8x1xf32>
    %sub3A_289 = arith.subf %sub3A_288, %broadcast_in_dim3A_286 : vector<8x1xf32>
    %mul3A_290 = arith.mulf %mul3A_237, %sub3A_289 : vector<8x1xf32>
    %mul3A_291 = arith.mulf %mul3A_238, %broadcast_in_dim3A_286 : vector<8x1xf32>
    %get3A_292 = arith.constant 0 : index
    %get3A_293 = arith.constant 0 : index
    %get3A_294 = vector.load %arg6[%get3A_292, %get3A_293] : memref<8x20000xf32, #tpu.memory_space<vmem>>, vector<8x20000xf32>
    %jit3A_295 = arith.constant 0xFF800000 : f32
    %broadcast_in_dim3A_296 = vector.broadcast %jit3A_295 : f32 to vector<8x20000xf32>
    %select_n3A_297 = arith.select %eq3A_278, %broadcast_in_dim3A_296, %get3A_294 : vector<8x20000xi1>, vector<8x20000xf32>
    %swap3A_298 = arith.constant 0 : index
    %swap3A_299 = arith.constant 0 : index
    %swap3A_300 = vector.load %arg6[%swap3A_298, %swap3A_299] : memref<8x20000xf32, #tpu.memory_space<vmem>>, vector<8x20000xf32>
    tpu.vector_store %arg6[%swap3A_298, %swap3A_299], %select_n3A_297 {strides = array<i32>} : memref<8x20000xf32, #tpu.memory_space<vmem>>, vector<8x20000xf32>,
    %mul3A_301 = vector.broadcast %get3A_7 : vector<1x20000xf32> to vector<8x20000xf32>
    %mul3A_302 = vector.broadcast %mul3A_290 : vector<8x1xf32> to vector<8x20000xf32>
    %mul3A_303 = arith.mulf %mul3A_301, %mul3A_302 : vector<8x20000xf32>
    %mul3A_304 = vector.broadcast %div3A_26 : vector<8x1xf32> to vector<8x20000xf32>
    %mul3A_305 = arith.mulf %mul3A_304, %mul3A_303 : vector<8x20000xf32>
    %mul3A_306 = vector.broadcast %sub3A_21 : vector<1x20000xf32> to vector<8x20000xf32>
    %mul3A_307 = vector.broadcast %mul3A_291 : vector<8x1xf32> to vector<8x20000xf32>
    %mul3A_308 = arith.mulf %mul3A_306, %mul3A_307 : vector<8x20000xf32>
    %mul3A_309 = vector.broadcast %div3A_32 : vector<8x1xf32> to vector<8x20000xf32>
    %mul3A_310 = arith.mulf %mul3A_309, %mul3A_308 : vector<8x20000xf32>
    %add3A_311 = arith.addf %mul3A_305, %mul3A_310 : vector<8x20000xf32>
    %get3A_312 = arith.constant 0 : index
    %get3A_313 = arith.constant 0 : index
    %get3A_314 = vector.load %arg6[%get3A_312, %get3A_313] : memref<8x20000xf32, #tpu.memory_space<vmem>>, vector<8x20000xf32>
    %mul3A_315 = arith.constant 4.000000e-01 : f32
    %mul3A_316 = vector.broadcast %mul3A_315 : f32 to vector<8x20000xf32>
    %mul3A_317 = arith.mulf %mul3A_316, %add3A_311 : vector<8x20000xf32>
    %add3A_318 = arith.addf %get3A_314, %mul3A_317 : vector<8x20000xf32>
    %reduce_max3A_319 = arith.constant dense<0xFF800000> : vector<8xf32>
    %reduce_max3A_320 = vector.multi_reduction <maximumf>, %add3A_318, %reduce_max3A_319 [1] : vector<8x20000xf32> to vector<8xf32>
    %broadcast_in_dim3A_321 = vector.shape_cast %reduce_max3A_320 : vector<8xf32> to vector<8x1xf32>
    %eq3A_322 = vector.broadcast %broadcast_in_dim3A_321 : vector<8x1xf32> to vector<8x20000xf32>
    %eq3A_323 = arith.cmpf oeq, %add3A_318, %eq3A_322 : vector<8x20000xf32>
    %jit3A_324 = arith.constant 20000 : i32
    %broadcast_in_dim3A_325 = vector.broadcast %jit3A_324 : i32 to vector<8x20000xi32>
    %select_n3A_326 = arith.select %eq3A_323, %iota3A, %broadcast_in_dim3A_325 : vector<8x20000xi1>, vector<8x20000xi32>
    %reduce_min3A_327 = arith.constant dense<2147483647> : vector<8xi32>
    %reduce_min3A_328 = vector.multi_reduction <minsi>, %select_n3A_326, %reduce_min3A_327 [1] : vector<8x20000xi32> to vector<8xi32>
    %broadcast_in_dim3A_329 = vector.shape_cast %reduce_min3A_328 : vector<8xi32> to vector<8x1xi32>
    %eq3A_330 = vector.broadcast %broadcast_in_dim3A_329 : vector<8x1xi32> to vector<8x20000xi32>
    %eq3A_331 = arith.cmpi eq, %iota3A, %eq3A_330 : vector<8x20000xi32>
    %jit3A_332 = arith.constant 0.000000e+00 : f32
    %broadcast_in_dim3A_333 = vector.shape_cast %get3A_7 : vector<1x20000xf32> to vector<1x20000xf32>
    %broadcast_in_dim3A_334 = vector.broadcast %broadcast_in_dim3A_333 : vector<1x20000xf32> to vector<8x20000xf32>
    %broadcast_in_dim3A_335 = vector.broadcast %jit3A_332 : f32 to vector<8x20000xf32>
    %select_n3A_336 = arith.select %eq3A_331, %broadcast_in_dim3A_334, %broadcast_in_dim3A_335 : vector<8x20000xi1>, vector<8x20000xf32>
    %reduce_sum3A_337 = arith.constant dense<0.000000e+00> : vector<8xf32>
    %reduce_sum3A_338 = vector.multi_reduction <add>, %select_n3A_336, %reduce_sum3A_337 [1] : vector<8x20000xf32> to vector<8xf32>
    %broadcast_in_dim3A_339 = vector.shape_cast %reduce_sum3A_338 : vector<8xf32> to vector<8x1xf32>
    %sub3A_340 = arith.constant 1.000000e+00 : f32
    %sub3A_341 = vector.broadcast %sub3A_340 : f32 to vector<8x1xf32>
    %sub3A_342 = arith.subf %sub3A_341, %broadcast_in_dim3A_339 : vector<8x1xf32>
    %mul3A_343 = arith.mulf %mul3A_290, %sub3A_342 : vector<8x1xf32>
    %mul3A_344 = arith.mulf %mul3A_291, %broadcast_in_dim3A_339 : vector<8x1xf32>
    %get3A_345 = arith.constant 0 : index
    %get3A_346 = arith.constant 0 : index
    %get3A_347 = vector.load %arg6[%get3A_345, %get3A_346] : memref<8x20000xf32, #tpu.memory_space<vmem>>, vector<8x20000xf32>
    %jit3A_348 = arith.constant 0xFF800000 : f32
    %broadcast_in_dim3A_349 = vector.broadcast %jit3A_348 : f32 to vector<8x20000xf32>
    %select_n3A_350 = arith.select %eq3A_331, %broadcast_in_dim3A_349, %get3A_347 : vector<8x20000xi1>, vector<8x20000xf32>
    %swap3A_351 = arith.constant 0 : index
    %swap3A_352 = arith.constant 0 : index
    %swap3A_353 = vector.load %arg6[%swap3A_351, %swap3A_352] : memref<8x20000xf32, #tpu.memory_space<vmem>>, vector<8x20000xf32>
    tpu.vector_store %arg6[%swap3A_351, %swap3A_352], %select_n3A_350 {strides = array<i32>} : memref<8x20000xf32, #tpu.memory_space<vmem>>, vector<8x20000xf32>,
    %mul3A_354 = vector.broadcast %get3A_7 : vector<1x20000xf32> to vector<8x20000xf32>
    %mul3A_355 = vector.broadcast %mul3A_343 : vector<8x1xf32> to vector<8x20000xf32>
    %mul3A_356 = arith.mulf %mul3A_354, %mul3A_355 : vector<8x20000xf32>
    %mul3A_357 = vector.broadcast %div3A_26 : vector<8x1xf32> to vector<8x20000xf32>
    %mul3A_358 = arith.mulf %mul3A_357, %mul3A_356 : vector<8x20000xf32>
    %mul3A_359 = vector.broadcast %sub3A_21 : vector<1x20000xf32> to vector<8x20000xf32>
    %mul3A_360 = vector.broadcast %mul3A_344 : vector<8x1xf32> to vector<8x20000xf32>
    %mul3A_361 = arith.mulf %mul3A_359, %mul3A_360 : vector<8x20000xf32>
    %mul3A_362 = vector.broadcast %div3A_32 : vector<8x1xf32> to vector<8x20000xf32>
    %mul3A_363 = arith.mulf %mul3A_362, %mul3A_361 : vector<8x20000xf32>
    %add3A_364 = arith.addf %mul3A_358, %mul3A_363 : vector<8x20000xf32>
    %get3A_365 = arith.constant 0 : index
    %get3A_366 = arith.constant 0 : index
    %get3A_367 = vector.load %arg6[%get3A_365, %get3A_366] : memref<8x20000xf32, #tpu.memory_space<vmem>>, vector<8x20000xf32>
    %mul3A_368 = arith.constant 4.000000e-01 : f32
    %mul3A_369 = vector.broadcast %mul3A_368 : f32 to vector<8x20000xf32>
    %mul3A_370 = arith.mulf %mul3A_369, %add3A_364 : vector<8x20000xf32>
    %add3A_371 = arith.addf %get3A_367, %mul3A_370 : vector<8x20000xf32>
    %reduce_max3A_372 = arith.constant dense<0xFF800000> : vector<8xf32>
    %reduce_max3A_373 = vector.multi_reduction <maximumf>, %add3A_371, %reduce_max3A_372 [1] : vector<8x20000xf32> to vector<8xf32>
    %broadcast_in_dim3A_374 = vector.shape_cast %reduce_max3A_373 : vector<8xf32> to vector<8x1xf32>
    %eq3A_375 = vector.broadcast %broadcast_in_dim3A_374 : vector<8x1xf32> to vector<8x20000xf32>
    %eq3A_376 = arith.cmpf oeq, %add3A_371, %eq3A_375 : vector<8x20000xf32>
    %jit3A_377 = arith.constant 20000 : i32
    %broadcast_in_dim3A_378 = vector.broadcast %jit3A_377 : i32 to vector<8x20000xi32>
    %select_n3A_379 = arith.select %eq3A_376, %iota3A, %broadcast_in_dim3A_378 : vector<8x20000xi1>, vector<8x20000xi32>
    %reduce_min3A_380 = arith.constant dense<2147483647> : vector<8xi32>
    %reduce_min3A_381 = vector.multi_reduction <minsi>, %select_n3A_379, %reduce_min3A_380 [1] : vector<8x20000xi32> to vector<8xi32>
    %broadcast_in_dim3A_382 = vector.shape_cast %reduce_min3A_381 : vector<8xi32> to vector<8x1xi32>
    %eq3A_383 = vector.broadcast %broadcast_in_dim3A_382 : vector<8x1xi32> to vector<8x20000xi32>
    %eq3A_384 = arith.cmpi eq, %iota3A, %eq3A_383 : vector<8x20000xi32>
    %jit3A_385 = arith.constant 0.000000e+00 : f32
    %broadcast_in_dim3A_386 = vector.shape_cast %get3A_7 : vector<1x20000xf32> to vector<1x20000xf32>
    %broadcast_in_dim3A_387 = vector.broadcast %broadcast_in_dim3A_386 : vector<1x20000xf32> to vector<8x20000xf32>
    %broadcast_in_dim3A_388 = vector.broadcast %jit3A_385 : f32 to vector<8x20000xf32>
    %select_n3A_389 = arith.select %eq3A_384, %broadcast_in_dim3A_387, %broadcast_in_dim3A_388 : vector<8x20000xi1>, vector<8x20000xf32>
    %reduce_sum3A_390 = arith.constant dense<0.000000e+00> : vector<8xf32>
    %reduce_sum3A_391 = vector.multi_reduction <add>, %select_n3A_389, %reduce_sum3A_390 [1] : vector<8x20000xf32> to vector<8xf32>
    %broadcast_in_dim3A_392 = vector.shape_cast %reduce_sum3A_391 : vector<8xf32> to vector<8x1xf32>
    %sub3A_393 = arith.constant 1.000000e+00 : f32
    %sub3A_394 = vector.broadcast %sub3A_393 : f32 to vector<8x1xf32>
    %sub3A_395 = arith.subf %sub3A_394, %broadcast_in_dim3A_392 : vector<8x1xf32>
    %mul3A_396 = arith.mulf %mul3A_343, %sub3A_395 : vector<8x1xf32>
    %mul3A_397 = arith.mulf %mul3A_344, %broadcast_in_dim3A_392 : vector<8x1xf32>
    %get3A_398 = arith.constant 0 : index
    %get3A_399 = arith.constant 0 : index
    %get3A_400 = vector.load %arg6[%get3A_398, %get3A_399] : memref<8x20000xf32, #tpu.memory_space<vmem>>, vector<8x20000xf32>
    %jit3A_401 = arith.constant 0xFF800000 : f32
    %broadcast_in_dim3A_402 = vector.broadcast %jit3A_401 : f32 to vector<8x20000xf32>
    %select_n3A_403 = arith.select %eq3A_384, %broadcast_in_dim3A_402, %get3A_400 : vector<8x20000xi1>, vector<8x20000xf32>
    %swap3A_404 = arith.constant 0 : index
    %swap3A_405 = arith.constant 0 : index
    %swap3A_406 = vector.load %arg6[%swap3A_404, %swap3A_405] : memref<8x20000xf32, #tpu.memory_space<vmem>>, vector<8x20000xf32>
    tpu.vector_store %arg6[%swap3A_404, %swap3A_405], %select_n3A_403 {strides = array<i32>} : memref<8x20000xf32, #tpu.memory_space<vmem>>, vector<8x20000xf32>,
    %mul3A_407 = vector.broadcast %get3A_7 : vector<1x20000xf32> to vector<8x20000xf32>
    %mul3A_408 = vector.broadcast %mul3A_396 : vector<8x1xf32> to vector<8x20000xf32>
    %mul3A_409 = arith.mulf %mul3A_407, %mul3A_408 : vector<8x20000xf32>
    %mul3A_410 = vector.broadcast %div3A_26 : vector<8x1xf32> to vector<8x20000xf32>
    %mul3A_411 = arith.mulf %mul3A_410, %mul3A_409 : vector<8x20000xf32>
    %mul3A_412 = vector.broadcast %sub3A_21 : vector<1x20000xf32> to vector<8x20000xf32>
    %mul3A_413 = vector.broadcast %mul3A_397 : vector<8x1xf32> to vector<8x20000xf32>
    %mul3A_414 = arith.mulf %mul3A_412, %mul3A_413 : vector<8x20000xf32>
    %mul3A_415 = vector.broadcast %div3A_32 : vector<8x1xf32> to vector<8x20000xf32>
    %mul3A_416 = arith.mulf %mul3A_415, %mul3A_414 : vector<8x20000xf32>
    %add3A_417 = arith.addf %mul3A_411, %mul3A_416 : vector<8x20000xf32>
    %get3A_418 = arith.constant 0 : index
    %get3A_419 = arith.constant 0 : index
    %get3A_420 = vector.load %arg6[%get3A_418, %get3A_419] : memref<8x20000xf32, #tpu.memory_space<vmem>>, vector<8x20000xf32>
    %mul3A_421 = arith.constant 4.000000e-01 : f32
    %mul3A_422 = vector.broadcast %mul3A_421 : f32 to vector<8x20000xf32>
    %mul3A_423 = arith.mulf %mul3A_422, %add3A_417 : vector<8x20000xf32>
    %add3A_424 = arith.addf %get3A_420, %mul3A_423 : vector<8x20000xf32>
    %reduce_max3A_425 = arith.constant dense<0xFF800000> : vector<8xf32>
    %reduce_max3A_426 = vector.multi_reduction <maximumf>, %add3A_424, %reduce_max3A_425 [1] : vector<8x20000xf32> to vector<8xf32>
    %broadcast_in_dim3A_427 = vector.shape_cast %reduce_max3A_426 : vector<8xf32> to vector<8x1xf32>
    %eq3A_428 = vector.broadcast %broadcast_in_dim3A_427 : vector<8x1xf32> to vector<8x20000xf32>
    %eq3A_429 = arith.cmpf oeq, %add3A_424, %eq3A_428 : vector<8x20000xf32>
    %jit3A_430 = arith.constant 20000 : i32
    %broadcast_in_dim3A_431 = vector.broadcast %jit3A_430 : i32 to vector<8x20000xi32>
    %select_n3A_432 = arith.select %eq3A_429, %iota3A, %broadcast_in_dim3A_431 : vector<8x20000xi1>, vector<8x20000xi32>
    %reduce_min3A_433 = arith.constant dense<2147483647> : vector<8xi32>
    %reduce_min3A_434 = vector.multi_reduction <minsi>, %select_n3A_432, %reduce_min3A_433 [1] : vector<8x20000xi32> to vector<8xi32>
    %broadcast_in_dim3A_435 = vector.shape_cast %reduce_min3A_434 : vector<8xi32> to vector<8x1xi32>
    %eq3A_436 = vector.broadcast %broadcast_in_dim3A_435 : vector<8x1xi32> to vector<8x20000xi32>
    %eq3A_437 = arith.cmpi eq, %iota3A, %eq3A_436 : vector<8x20000xi32>
    %jit3A_438 = arith.constant 0.000000e+00 : f32
    %broadcast_in_dim3A_439 = vector.shape_cast %get3A_7 : vector<1x20000xf32> to vector<1x20000xf32>
    %broadcast_in_dim3A_440 = vector.broadcast %broadcast_in_dim3A_439 : vector<1x20000xf32> to vector<8x20000xf32>
    %broadcast_in_dim3A_441 = vector.broadcast %jit3A_438 : f32 to vector<8x20000xf32>
    %select_n3A_442 = arith.select %eq3A_437, %broadcast_in_dim3A_440, %broadcast_in_dim3A_441 : vector<8x20000xi1>, vector<8x20000xf32>
    %reduce_sum3A_443 = arith.constant dense<0.000000e+00> : vector<8xf32>
    %reduce_sum3A_444 = vector.multi_reduction <add>, %select_n3A_442, %reduce_sum3A_443 [1] : vector<8x20000xf32> to vector<8xf32>
    %broadcast_in_dim3A_445 = vector.shape_cast %reduce_sum3A_444 : vector<8xf32> to vector<8x1xf32>
    %sub3A_446 = arith.constant 1.000000e+00 : f32
    %sub3A_447 = vector.broadcast %sub3A_446 : f32 to vector<8x1xf32>
    %sub3A_448 = arith.subf %sub3A_447, %broadcast_in_dim3A_445 : vector<8x1xf32>
    %mul3A_449 = arith.mulf %mul3A_396, %sub3A_448 : vector<8x1xf32>
    %mul3A_450 = arith.mulf %mul3A_397, %broadcast_in_dim3A_445 : vector<8x1xf32>
    %get3A_451 = arith.constant 0 : index
    %get3A_452 = arith.constant 0 : index
    %get3A_453 = vector.load %arg6[%get3A_451, %get3A_452] : memref<8x20000xf32, #tpu.memory_space<vmem>>, vector<8x20000xf32>
    %jit3A_454 = arith.constant 0xFF800000 : f32
    %broadcast_in_dim3A_455 = vector.broadcast %jit3A_454 : f32 to vector<8x20000xf32>
    %select_n3A_456 = arith.select %eq3A_437, %broadcast_in_dim3A_455, %get3A_453 : vector<8x20000xi1>, vector<8x20000xf32>
    %swap3A_457 = arith.constant 0 : index
    %swap3A_458 = arith.constant 0 : index
    %swap3A_459 = vector.load %arg6[%swap3A_457, %swap3A_458] : memref<8x20000xf32, #tpu.memory_space<vmem>>, vector<8x20000xf32>
    tpu.vector_store %arg6[%swap3A_457, %swap3A_458], %select_n3A_456 {strides = array<i32>} : memref<8x20000xf32, #tpu.memory_space<vmem>>, vector<8x20000xf32>,
    %mul3A_460 = vector.broadcast %get3A_7 : vector<1x20000xf32> to vector<8x20000xf32>
    %mul3A_461 = vector.broadcast %mul3A_449 : vector<8x1xf32> to vector<8x20000xf32>
    %mul3A_462 = arith.mulf %mul3A_460, %mul3A_461 : vector<8x20000xf32>
    %mul3A_463 = vector.broadcast %div3A_26 : vector<8x1xf32> to vector<8x20000xf32>
    %mul3A_464 = arith.mulf %mul3A_463, %mul3A_462 : vector<8x20000xf32>
    %mul3A_465 = vector.broadcast %sub3A_21 : vector<1x20000xf32> to vector<8x20000xf32>
    %mul3A_466 = vector.broadcast %mul3A_450 : vector<8x1xf32> to vector<8x20000xf32>
    %mul3A_467 = arith.mulf %mul3A_465, %mul3A_466 : vector<8x20000xf32>
    %mul3A_468 = vector.broadcast %div3A_32 : vector<8x1xf32> to vector<8x20000xf32>
    %mul3A_469 = arith.mulf %mul3A_468, %mul3A_467 : vector<8x20000xf32>
    %add3A_470 = arith.addf %mul3A_464, %mul3A_469 : vector<8x20000xf32>
    %get3A_471 = arith.constant 0 : index
    %get3A_472 = arith.constant 0 : index
    %get3A_473 = vector.load %arg6[%get3A_471, %get3A_472] : memref<8x20000xf32, #tpu.memory_space<vmem>>, vector<8x20000xf32>
    %mul3A_474 = arith.constant 4.000000e-01 : f32
    %mul3A_475 = vector.broadcast %mul3A_474 : f32 to vector<8x20000xf32>
    %mul3A_476 = arith.mulf %mul3A_475, %add3A_470 : vector<8x20000xf32>
    %add3A_477 = arith.addf %get3A_473, %mul3A_476 : vector<8x20000xf32>
    %reduce_max3A_478 = arith.constant dense<0xFF800000> : vector<8xf32>
    %reduce_max3A_479 = vector.multi_reduction <maximumf>, %add3A_477, %reduce_max3A_478 [1] : vector<8x20000xf32> to vector<8xf32>
    %broadcast_in_dim3A_480 = vector.shape_cast %reduce_max3A_479 : vector<8xf32> to vector<8x1xf32>
    %eq3A_481 = vector.broadcast %broadcast_in_dim3A_480 : vector<8x1xf32> to vector<8x20000xf32>
    %eq3A_482 = arith.cmpf oeq, %add3A_477, %eq3A_481 : vector<8x20000xf32>
    %jit3A_483 = arith.constant 20000 : i32
    %broadcast_in_dim3A_484 = vector.broadcast %jit3A_483 : i32 to vector<8x20000xi32>
    %select_n3A_485 = arith.select %eq3A_482, %iota3A, %broadcast_in_dim3A_484 : vector<8x20000xi1>, vector<8x20000xi32>
    %reduce_min3A_486 = arith.constant dense<2147483647> : vector<8xi32>
    %reduce_min3A_487 = vector.multi_reduction <minsi>, %select_n3A_485, %reduce_min3A_486 [1] : vector<8x20000xi32> to vector<8xi32>
    %broadcast_in_dim3A_488 = vector.shape_cast %reduce_min3A_487 : vector<8xi32> to vector<8x1xi32>
    %eq3A_489 = vector.broadcast %broadcast_in_dim3A_488 : vector<8x1xi32> to vector<8x20000xi32>
    %eq3A_490 = arith.cmpi eq, %iota3A, %eq3A_489 : vector<8x20000xi32>
    %jit3A_491 = arith.constant 0.000000e+00 : f32
    %broadcast_in_dim3A_492 = vector.shape_cast %get3A_7 : vector<1x20000xf32> to vector<1x20000xf32>
    %broadcast_in_dim3A_493 = vector.broadcast %broadcast_in_dim3A_492 : vector<1x20000xf32> to vector<8x20000xf32>
    %broadcast_in_dim3A_494 = vector.broadcast %jit3A_491 : f32 to vector<8x20000xf32>
    %select_n3A_495 = arith.select %eq3A_490, %broadcast_in_dim3A_493, %broadcast_in_dim3A_494 : vector<8x20000xi1>, vector<8x20000xf32>
    %reduce_sum3A_496 = arith.constant dense<0.000000e+00> : vector<8xf32>
    %reduce_sum3A_497 = vector.multi_reduction <add>, %select_n3A_495, %reduce_sum3A_496 [1] : vector<8x20000xf32> to vector<8xf32>
    %broadcast_in_dim3A_498 = vector.shape_cast %reduce_sum3A_497 : vector<8xf32> to vector<8x1xf32>
    %sub3A_499 = arith.constant 1.000000e+00 : f32
    %sub3A_500 = vector.broadcast %sub3A_499 : f32 to vector<8x1xf32>
    %sub3A_501 = arith.subf %sub3A_500, %broadcast_in_dim3A_498 : vector<8x1xf32>
    %mul3A_502 = arith.mulf %mul3A_449, %sub3A_501 : vector<8x1xf32>
    %mul3A_503 = arith.mulf %mul3A_450, %broadcast_in_dim3A_498 : vector<8x1xf32>
    %get3A_504 = arith.constant 0 : index
    %get3A_505 = arith.constant 0 : index
    %get3A_506 = vector.load %arg6[%get3A_504, %get3A_505] : memref<8x20000xf32, #tpu.memory_space<vmem>>, vector<8x20000xf32>
    %jit3A_507 = arith.constant 0xFF800000 : f32
    %broadcast_in_dim3A_508 = vector.broadcast %jit3A_507 : f32 to vector<8x20000xf32>
    %select_n3A_509 = arith.select %eq3A_490, %broadcast_in_dim3A_508, %get3A_506 : vector<8x20000xi1>, vector<8x20000xf32>
    %swap3A_510 = arith.constant 0 : index
    %swap3A_511 = arith.constant 0 : index
    %swap3A_512 = vector.load %arg6[%swap3A_510, %swap3A_511] : memref<8x20000xf32, #tpu.memory_space<vmem>>, vector<8x20000xf32>
    tpu.vector_store %arg6[%swap3A_510, %swap3A_511], %select_n3A_509 {strides = array<i32>} : memref<8x20000xf32, #tpu.memory_space<vmem>>, vector<8x20000xf32>,
    %mul3A_513 = vector.broadcast %get3A_7 : vector<1x20000xf32> to vector<8x20000xf32>
    %mul3A_514 = vector.broadcast %mul3A_502 : vector<8x1xf32> to vector<8x20000xf32>
    %mul3A_515 = arith.mulf %mul3A_513, %mul3A_514 : vector<8x20000xf32>
    %mul3A_516 = vector.broadcast %div3A_26 : vector<8x1xf32> to vector<8x20000xf32>
    %mul3A_517 = arith.mulf %mul3A_516, %mul3A_515 : vector<8x20000xf32>
    %mul3A_518 = vector.broadcast %sub3A_21 : vector<1x20000xf32> to vector<8x20000xf32>
    %mul3A_519 = vector.broadcast %mul3A_503 : vector<8x1xf32> to vector<8x20000xf32>
    %mul3A_520 = arith.mulf %mul3A_518, %mul3A_519 : vector<8x20000xf32>
    %mul3A_521 = vector.broadcast %div3A_32 : vector<8x1xf32> to vector<8x20000xf32>
    %mul3A_522 = arith.mulf %mul3A_521, %mul3A_520 : vector<8x20000xf32>
    %add3A_523 = arith.addf %mul3A_517, %mul3A_522 : vector<8x20000xf32>
    %get3A_524 = arith.constant 0 : index
    %get3A_525 = arith.constant 0 : index
    %get3A_526 = vector.load %arg6[%get3A_524, %get3A_525] : memref<8x20000xf32, #tpu.memory_space<vmem>>, vector<8x20000xf32>
    %mul3A_527 = arith.constant 4.000000e-01 : f32
    %mul3A_528 = vector.broadcast %mul3A_527 : f32 to vector<8x20000xf32>
    %mul3A_529 = arith.mulf %mul3A_528, %add3A_523 : vector<8x20000xf32>
    %add3A_530 = arith.addf %get3A_526, %mul3A_529 : vector<8x20000xf32>
    %reduce_max3A_531 = arith.constant dense<0xFF800000> : vector<8xf32>
    %reduce_max3A_532 = vector.multi_reduction <maximumf>, %add3A_530, %reduce_max3A_531 [1] : vector<8x20000xf32> to vector<8xf32>
    %broadcast_in_dim3A_533 = vector.shape_cast %reduce_max3A_532 : vector<8xf32> to vector<8x1xf32>
    %eq3A_534 = vector.broadcast %broadcast_in_dim3A_533 : vector<8x1xf32> to vector<8x20000xf32>
    %eq3A_535 = arith.cmpf oeq, %add3A_530, %eq3A_534 : vector<8x20000xf32>
    %jit3A_536 = arith.constant 20000 : i32
    %broadcast_in_dim3A_537 = vector.broadcast %jit3A_536 : i32 to vector<8x20000xi32>
    %select_n3A_538 = arith.select %eq3A_535, %iota3A, %broadcast_in_dim3A_537 : vector<8x20000xi1>, vector<8x20000xi32>
    %reduce_min3A_539 = arith.constant dense<2147483647> : vector<8xi32>
    %reduce_min3A_540 = vector.multi_reduction <minsi>, %select_n3A_538, %reduce_min3A_539 [1] : vector<8x20000xi32> to vector<8xi32>
    %broadcast_in_dim3A_541 = vector.shape_cast %reduce_min3A_540 : vector<8xi32> to vector<8x1xi32>
    %eq3A_542 = vector.broadcast %broadcast_in_dim3A_541 : vector<8x1xi32> to vector<8x20000xi32>
    %eq3A_543 = arith.cmpi eq, %iota3A, %eq3A_542 : vector<8x20000xi32>
    %jit3A_544 = arith.constant 0.000000e+00 : f32
    %broadcast_in_dim3A_545 = vector.shape_cast %get3A_7 : vector<1x20000xf32> to vector<1x20000xf32>
    %broadcast_in_dim3A_546 = vector.broadcast %broadcast_in_dim3A_545 : vector<1x20000xf32> to vector<8x20000xf32>
    %broadcast_in_dim3A_547 = vector.broadcast %jit3A_544 : f32 to vector<8x20000xf32>
    %select_n3A_548 = arith.select %eq3A_543, %broadcast_in_dim3A_546, %broadcast_in_dim3A_547 : vector<8x20000xi1>, vector<8x20000xf32>
    %reduce_sum3A_549 = arith.constant dense<0.000000e+00> : vector<8xf32>
    %reduce_sum3A_550 = vector.multi_reduction <add>, %select_n3A_548, %reduce_sum3A_549 [1] : vector<8x20000xf32> to vector<8xf32>
    %broadcast_in_dim3A_551 = vector.shape_cast %reduce_sum3A_550 : vector<8xf32> to vector<8x1xf32>
    %sub3A_552 = arith.constant 1.000000e+00 : f32
    %sub3A_553 = vector.broadcast %sub3A_552 : f32 to vector<8x1xf32>
    %sub3A_554 = arith.subf %sub3A_553, %broadcast_in_dim3A_551 : vector<8x1xf32>
    %mul3A_555 = arith.mulf %mul3A_502, %sub3A_554 : vector<8x1xf32>
    %mul3A_556 = arith.mulf %mul3A_503, %broadcast_in_dim3A_551 : vector<8x1xf32>
    %get3A_557 = arith.constant 0 : index
    %get3A_558 = arith.constant 0 : index
    %get3A_559 = vector.load %arg6[%get3A_557, %get3A_558] : memref<8x20000xf32, #tpu.memory_space<vmem>>, vector<8x20000xf32>
    %jit3A_560 = arith.constant 0xFF800000 : f32
    %broadcast_in_dim3A_561 = vector.broadcast %jit3A_560 : f32 to vector<8x20000xf32>
    %select_n3A_562 = arith.select %eq3A_543, %broadcast_in_dim3A_561, %get3A_559 : vector<8x20000xi1>, vector<8x20000xf32>
    %swap3A_563 = arith.constant 0 : index
    %swap3A_564 = arith.constant 0 : index
    %swap3A_565 = vector.load %arg6[%swap3A_563, %swap3A_564] : memref<8x20000xf32, #tpu.memory_space<vmem>>, vector<8x20000xf32>
    tpu.vector_store %arg6[%swap3A_563, %swap3A_564], %select_n3A_562 {strides = array<i32>} : memref<8x20000xf32, #tpu.memory_space<vmem>>, vector<8x20000xf32>,
    %mul3A_566 = vector.broadcast %get3A_7 : vector<1x20000xf32> to vector<8x20000xf32>
    %mul3A_567 = vector.broadcast %mul3A_555 : vector<8x1xf32> to vector<8x20000xf32>
    %mul3A_568 = arith.mulf %mul3A_566, %mul3A_567 : vector<8x20000xf32>
    %mul3A_569 = vector.broadcast %div3A_26 : vector<8x1xf32> to vector<8x20000xf32>
    %mul3A_570 = arith.mulf %mul3A_569, %mul3A_568 : vector<8x20000xf32>
    %mul3A_571 = vector.broadcast %sub3A_21 : vector<1x20000xf32> to vector<8x20000xf32>
    %mul3A_572 = vector.broadcast %mul3A_556 : vector<8x1xf32> to vector<8x20000xf32>
    %mul3A_573 = arith.mulf %mul3A_571, %mul3A_572 : vector<8x20000xf32>
    %mul3A_574 = vector.broadcast %div3A_32 : vector<8x1xf32> to vector<8x20000xf32>
    %mul3A_575 = arith.mulf %mul3A_574, %mul3A_573 : vector<8x20000xf32>
    %add3A_576 = arith.addf %mul3A_570, %mul3A_575 : vector<8x20000xf32>
    %get3A_577 = arith.constant 0 : index
    %get3A_578 = arith.constant 0 : index
    %get3A_579 = vector.load %arg6[%get3A_577, %get3A_578] : memref<8x20000xf32, #tpu.memory_space<vmem>>, vector<8x20000xf32>
    %mul3A_580 = arith.constant 4.000000e-01 : f32
    %mul3A_581 = vector.broadcast %mul3A_580 : f32 to vector<8x20000xf32>
    %mul3A_582 = arith.mulf %mul3A_581, %add3A_576 : vector<8x20000xf32>
    %add3A_583 = arith.addf %get3A_579, %mul3A_582 : vector<8x20000xf32>
    %reduce_max3A_584 = arith.constant dense<0xFF800000> : vector<8xf32>
    %reduce_max3A_585 = vector.multi_reduction <maximumf>, %add3A_583, %reduce_max3A_584 [1] : vector<8x20000xf32> to vector<8xf32>
    %broadcast_in_dim3A_586 = vector.shape_cast %reduce_max3A_585 : vector<8xf32> to vector<8x1xf32>
    %eq3A_587 = vector.broadcast %broadcast_in_dim3A_586 : vector<8x1xf32> to vector<8x20000xf32>
    %eq3A_588 = arith.cmpf oeq, %add3A_583, %eq3A_587 : vector<8x20000xf32>
    %jit3A_589 = arith.constant 20000 : i32
    %broadcast_in_dim3A_590 = vector.broadcast %jit3A_589 : i32 to vector<8x20000xi32>
    %select_n3A_591 = arith.select %eq3A_588, %iota3A, %broadcast_in_dim3A_590 : vector<8x20000xi1>, vector<8x20000xi32>
    %reduce_min3A_592 = arith.constant dense<2147483647> : vector<8xi32>
    %reduce_min3A_593 = vector.multi_reduction <minsi>, %select_n3A_591, %reduce_min3A_592 [1] : vector<8x20000xi32> to vector<8xi32>
    %broadcast_in_dim3A_594 = vector.shape_cast %reduce_min3A_593 : vector<8xi32> to vector<8x1xi32>
    %eq3A_595 = vector.broadcast %broadcast_in_dim3A_594 : vector<8x1xi32> to vector<8x20000xi32>
    %eq3A_596 = arith.cmpi eq, %iota3A, %eq3A_595 : vector<8x20000xi32>
    %get3A_597 = arith.constant 0 : index
    %get3A_598 = arith.constant 0 : index
    %get3A_599 = vector.load %arg6[%get3A_597, %get3A_598] : memref<8x20000xf32, #tpu.memory_space<vmem>>, vector<8x20000xf32>
    %jit3A_600 = arith.constant 0xFF800000 : f32
    %broadcast_in_dim3A_601 = vector.broadcast %jit3A_600 : f32 to vector<8x20000xf32>
    %select_n3A_602 = arith.select %eq3A_596, %broadcast_in_dim3A_601, %get3A_599 : vector<8x20000xi1>, vector<8x20000xf32>
    %swap3A_603 = arith.constant 0 : index
    %swap3A_604 = arith.constant 0 : index
    %swap3A_605 = vector.load %arg6[%swap3A_603, %swap3A_604] : memref<8x20000xf32, #tpu.memory_space<vmem>>, vector<8x20000xf32>
    tpu.vector_store %arg6[%swap3A_603, %swap3A_604], %select_n3A_602 {strides = array<i32>} : memref<8x20000xf32, #tpu.memory_space<vmem>>, vector<8x20000xf32>,
    %broadcast_in_dim3A_606 = arith.constant 0 : i32
    %broadcast_in_dim3A_607 = vector.broadcast %broadcast_in_dim3A_606 : i32 to vector<8x6xi32>
    %concatenate3A = tpu.concatenate %broadcast_in_dim3A_117, %broadcast_in_dim3A_170, %broadcast_in_dim3A_223, %broadcast_in_dim3A_276, %broadcast_in_dim3A_329, %broadcast_in_dim3A_382, %broadcast_in_dim3A_435, %broadcast_in_dim3A_488, %broadcast_in_dim3A_541, %broadcast_in_dim3A_594, %broadcast_in_dim3A_607 in 1 : vector<8x1xi32>, vector<8x1xi32>, vector<8x1xi32>, vector<8x1xi32>, vector<8x1xi32>, vector<8x1xi32>, vector<8x1xi32>, vector<8x1xi32>, vector<8x1xi32>, vector<8x1xi32>, vector<8x6xi32> -> vector<8x16xi32>
    %swap3A_608 = arith.constant 0 : index
    %swap3A_609 = arith.constant 0 : index
    %swap3A_610 = vector.load %arg4[%swap3A_608, %swap3A_609] : memref<8x16xi32, #tpu.memory_space<vmem>>, vector<8x16xi32>
    tpu.vector_store %arg4[%swap3A_608, %swap3A_609], %concatenate3A {strides = array<i32>} : memref<8x16xi32, #tpu.memory_space<vmem>>, vector<8x16xi32>,
    return
  }
  func.func @transform_0(%arg0: i32) -> (i32, i32) {
    %c0_i32 = arith.constant 0 : i32
    %c0_i32_0 = arith.constant 0 : i32
    return %arg0, %c0_i32 : i32, i32
  }
  func.func @transform_1(%arg0: i32) -> (i32, i32) {
    %c0_i32 = arith.constant 0 : i32
    %c0_i32_0 = arith.constant 0 : i32
    return %arg0, %c0_i32 : i32, i32
  }
  func.func @transform_2(%arg0: i32) -> (i32, i32) {
    %c0_i32 = arith.constant 0 : i32
    %c0_i32_0 = arith.constant 0 : i32
    %c0_i32_1 = arith.constant 0 : i32
    return %c0_i32, %c0_i32_0 : i32, i32
  }
  func.func @transform_3(%arg0: i32) -> (i32, i32) {
    %c0_i32 = arith.constant 0 : i32
    %c0_i32_0 = arith.constant 0 : i32
    return %arg0, %c0_i32 : i32, i32
  }
}

</mosaic_0001>

<sc_bundles>
// kernel: sparse-core-data-format-call.cloned.1.call-start
scs
called_computation_lowered:
.L_overlay_start_0:
0x0: {  	s2 =	sld [smem:$0x3FD9]  }
0x1: {  	s3 =	sld [smem:$0x3FFE];
	_ =	sdelay $0x1  }
0x2: {  	s1 =	srdreg.scid  }
0x3: {  	s0 =	sand.u32 $0x1, s1  }
0x4: {  	s18 =	sshll.u32 s0, $0xA;
	s2 =	sadd.s32 s3, s2  }
0x5: {  	s2 =	sadd.s32 s2, s18  }
0x6: {  	[smem:$0x3FC3] =	sst s2  }
0x7: {  	_ = 	snop  }
0x8: {  	s2 =	sld [smem:$0x3FD0];
	(tm) =	ssettm $0x1  }
0x9: {  	s19 =	sld [smem:$0x3FFB];
	_ =	sdelay $0x3  }
0xa: {  	_ =	strace s19  }
0xb: {  	s3 =	sld [smem:$0x3FFC];
	_ =	sdelay $0x3  }
0xc: {  	_ =	strace s3  }
0xd: {  	s3 =	sld [smem:$0x3FFD];
	_ =	sdelay $0x3  }
0xe: {  	_ =	strace s3  }
0xf: {  	_ =	strace $0x8FFFFFFF  }
0x10: {  	s20 =	sld [smem:$0x3FDB];
	_ =	sdelay $0x1  }
0x11: {  	s4 =	simm.s32 $_scs_section_size  }
0x12: {  	s5 =	simm.s32 $_size__tile_overlayer_lowered;
	s6 =	simm.s32 $_tile_overlayer_lowered  }
0x13: {  	s23 =	simm.s32 $0x1BFF;
	s22 =	sshll.u32 s6, $0x1;
	s3 =	sadd.s32 s4, s20  }
0x14: {  	s7 =	simm.s32 $0x0;
	s21 =	sshll.u32 s5, $0x1;
	s5 =	sadd.s32 s22, s3  }
0x15: {  	[timem:s7], [sflag:s23] =	dma.local [hbm:s5], s21  }
0x16: {  	_ =	swait.ge [sflag:s23], s21  }
0x17: {  	s4 =	ssub.s32 $0x0, s21;
	[sflag:s23] =	ssyncset.done $0x0  }
0x18: {  	[sflag:s23] =	ssyncadd.s32 s4;
	_ =	sdelay $0x1  }
0x19: {  	s24 =	simm.s32 $0x1B8B  }
0x1a: {  	_ =	swait.ge [sflag:s24], $0x1  }
0x1b: {  	[sflag:s24] =	ssyncset.done $0x0  }
0x1c: {  	s26 =	simm.s32 $0x1B8E;
	s25 =	sld [smem:$0x3FFE];
	[sflag:s24] =	ssyncadd.s32 $0xFFFFFFFF  }
0x1d: {  	s27 =	simm.s32 $execute0_lowered;
	[smem:$0x3FD2] =	sst s26  }
0x1e: {  	s5 =	sshll.u32 s27, $0x1;
	_ =	strace $0x80000046;
	[dreg:$0x1] =	wrdreg $0xFFFFFFFF  }
0x1f: {  	s28 =	simm.s32 $_size_execute0_lowered;
	s3 =	sadd.s32 s3, s5;
	[dreg:$0x0] =	wrdreg $0x0  }
0x20: {  	s5 =	sshll.u32 s28, $0x1;
	[dreg:$0x2] =	wrdreg s3  }
0x21: {  	[dreg:$0x3] =	wrdreg s5  }
0x22: {  	[dreg:$0x4] =	wrdreg $0xC0  }
0x23: {  	_ =	task [dreg:s7], $0x5FFFF  }
0x24: {  	[dreg:$0x1] =	wrdreg $0xFFFFFFFF  }
0x25: {  	[dreg:$0x0] =	wrdreg $0x60  }
0x26: {  	[dreg:$0x2] =	wrdreg s2  }
0x27: {  	[dreg:$0x3] =	wrdreg s25  }
0x28: {  	[dreg:$0x4] =	wrdreg $0x9  }
0x29: {  	_ =	task.clear_ibuf [dreg:s7], $0x5FFFF;
	_ =	strace $0x90000046  }
0x2a: {  	s29 =	simm.s32 $0x9;
	_ =	strace $0x80000048  }
0x2b: {  	_ =	swait.ge [sflag:s29], $0x1  }
0x2c: {  	[sflag:s29] =	ssyncadd.s32 $0xFFFFFFFF  }
0x2d: {  	_ =	strace $0x90000048  }
0x2e: {  	_ =	sfence  }
0x2f: {  	s30 =	sld [smem:$0x0];
	_ =	sdelay $0x2  }
0x30: {  	s31 =	sshll.u32 s1, $0xD;
	s1 =	sshrl.u32 s1, $0x2  }
0x31: {  	s3 =	sand.u32 $0x4000, s31;
	s1 =	sadd.s32 s1, s30  }
0x32: {  	s0 =	sor.u32 s3, s0;
	s1 =	sshll.u32 s1, $0x11  }
0x33: {  	s0 =	sor.u32 s1, s0  }
0x34: {  	s0 =	sadd.s32 $0x8F2B, s0  }
0x35: {  	[sflag:s0] =	ssyncadd.remote.s32 $0x1  }
0x36: {  	_ =	sfence.sel $0xFFFF  }
0x37: {  	[dreg:$0x0] =	wrdreg $0xFFFFFFFF;
	(pc) =	sbr.abs _section_cstart, $3  }
0x38: {  	[dreg:$0x1] =	wrdreg $0xFFFFFFFF  }
0x39: {  	_ =	task.clear_ibuf [dreg:s7], $0x2FFFF;
	_ =	strace $0x9FFFFFFF  }
0x3a: {  	(tm) =	ssettm $0x7FFFFFFF  }
0x3b: {  	_ =	shalt  }
tec
execute0_lowered:
.L_overlay_start_1:
0x0: {  	(tag) =	ssettag $0x1  }
0x1: {  	s0 =	srdreg.scid  }
0x2: {  	s1 =	sshll.u32 s0, $0x4  }
0x3: {  	s2 =	rddreg [dreg:$0x0];
	s0 =	stileid.u32;
	s1 =	sand.u32 $0x10, s1  }
0x4: {  	s4 =	rddreg [dreg:$0x1];
	s7 =	simm.s32 $0x1;
	s1 =	sor.u32 s0, s1  }
0x5: {  	s8 =	simm.s32 $0x2;
	s9 =	simm.s32 $0x0;
	s3 =	sshll.u32 s1, $0x1  }
0x6: {  	s12 =	simm.s32 $0x0;
	s11 =	simm.s32 $0x0;
	s6 =	ssub.s32 $0x9C4, s3  }
.Ltmp0:
0x7: {  	s4 =	sadd.s32 $0xE00, s4;
	s5 =	sand.u32 $0x3E, s6;
	(pc) =	sbr.rel .LBB1_1-.Ltmp0, $4  }
0x8: {  	s1 =	rddreg [dreg:$0x2];
	_ =	strace $0x80000047;
	p0 =	sne.s32 s5, $0x0  }
0x9: {  	s6 =	sshrl.u32 s6, $0x6;
	s5 =	simm.s32 $0x1;
	s7 =	simm.s32 @!p0 $0x0  }
0xa: {  	s10 =	smov.u32 s3;
	[sflag:s5] =	ssyncpa.u1 $0x0;
	s6 =	sadd.s32 s7, s6  }
0xb: {  	[sflag:s8] =	ssyncpa.u1 $0x0;
	s8 =	simm.s32 $0x0;
	s7 =	sadd.s32 $0x1, s6  }
.LBB1_9:
0xc: {  	s14 =	sadd.s32 $0x40, s10  }
0xd: {  	p1 =	sgt.s32 s14, $0x9C3  }
0xe: {  	s14 =	smov.u32 @p1 s3;
	p1 =	sne.s32 s11, s7  }
.Ltmp1:
0xf: {  	p0 =	slt.u32 s11, $0x2;
	(pc) =	sbr.rel @!p1 .LBB1_10-.Ltmp1, $4  }
0x10: {  	s13 =	simm.s32 @!p0 $0x2  }
0x11: {  	s15 =	sadd.s32 $0x1, s11;
	_ =	swait.ge @!p0 [sflag:s13], $0x4000  }
0x12: {  	s12 =	smov.u32 s10;
	s9 =	sadd.s32 $0x4000, s9;
	[sflag:s13] =	ssyncset.done @!p0 $0x0  }
0x13: {  	s11 =	smov.u32 s15;
	s10 =	smov.u32 s14;
	[sflag:s13] =	ssyncadd.s32 @!p0 $0xFFFFC000  }
.LBB1_1:
0x14: {  	p0 =	sge.u32 s11, s6  }
0x15: {  	s13 =	sxor.u32 @!p0 $0xFFFFFFFF, s11  }
0x16: {  	s31 =	sadd.s32 $0xFFFFFFFF, s11;
	s14 =	sshll.u32 @!p0 s10, $0xA;
	s13 =	sshll.u32 @!p0 s13, $0xE  }
0x17: {  	s15 =	simm.s32 @!p0 $0x0;
	s14 =	sadd.s32 @!p0 s2, s14;
	s13 =	sand.u32 @!p0 $0x4000, s13  }
0x18: {  	[tilespmem:s13], [sflag:$0x1] =	stream.linear.gather @!p0 [hbm4b:s14+s15], $0x4000, $0x38;
	[tilespmem:$0x10000] =	vst v63  }
0x19: {  	p0 =	sge.u32 s31, s6  }
.Ltmp2:
0x1a: {  	_ = 	snop;
	(pc) =	sbr.rel @p0 .LBB1_9-.Ltmp2, $1  }
0x1b: {  	_ =	sdelay $0x3  }
0x1c: {  	s13 =	sshll.u32 s9, $0x2  }
0x1d: {  	_ =	swait.ge [sflag:s5], $0x4000;
	s14 =	sshll.u32 s11, $0xE;
	s16 =	simm.s32 $0x0  }
0x1e: {  	p1 =	por $0x1, $0x1;
	s13 =	sand.u32 $0x10000, s13;
	[sflag:s5] =	ssyncset.done $0x0  }
0x1f: {  	s14 =	sand.u32 $0x4000, s14;
	s15 =	sshrl.u32 s13, $0x2;
	[sflag:s5] =	ssyncadd.s32 $0xFFFFC000  }
0x20: {  	s13 =	sor.u32 $0x8000, s14;
	s14 =	sadd.s32 $0x8040, s15;
	s15 =	sadd.s32 $0x40, s15  }
.LBB1_3:
0x21: {  	s16 =	sshll.u32 s16, $0x2  }
0x22: {  	p0 =	por p1, p1;
	s17 =	sshra.s32 s16, $0x2  }
0x23: {  	s18 =	simm.s32 $0x0;
	s16 =	sadd.s32 s17, s14;
	s17 =	sadd.s32 s17, s15  }
.LBB1_4:
0x24: {  	v0 =	vmov s17;
	_ =	sdelay $0x3  }
0x25: {  	s20 =	simm.s32 $0x0  }
0x26: {  	v6 =	vld.idx.msk [tilespmem:v0+s20+$0x30 ss:$0x1], $0xffff  }
0x27: {  	v7 =	vld.idx.msk [tilespmem:v0+s20+$0xFFFFFFC0 ss:$0x1], $0xffff  }
0x28: {  	v5 =	vld.idx.msk [tilespmem:v0+s20+$0xFFFFFFD0 ss:$0x1], $0xffff  }
0x29: {  	v4 =	vld.idx.msk [tilespmem:v0+s20+$0xFFFFFFE0 ss:$0x1], $0xffff  }
0x2a: {  	v3 =	vld.idx.msk [tilespmem:v0+s20+$0xFFFFFFF0 ss:$0x1], $0xffff  }
0x2b: {  	v1 =	vld.idx.msk [tilespmem:v0+s20+$0x0 ss:$0x1], $0xffff  }
0x2c: {  	v2 =	vld.idx.msk [tilespmem:v0+s20+$0x10 ss:$0x1], $0xffff;
	[tilespmem:s16+$0x30] =	vst v6  }
0x2d: {  	s19 =	simm.s32 $0x80;
	s21 =	simm.s32 $0x400;
	[tilespmem:s16+$0xFFFFFFC0] =	vst v7;
	v6 =	vld.idx.msk [tilespmem:v0+s20+$0x20 ss:$0x1], $0xffff;
	s20 =	smov.u32 s16  }
.LBB1_5:
0x2e: {  	p1 =	sne.s32 s21, $0xE00;
	v7 =	vld.idx.msk [tilespmem:v0+s19+$0x30 ss:$0x1], $0xffff;
	[tilespmem:s20+$0xFFFFFFD0] =	vst v5  }
0x2f: {  	v8 =	vld.idx.msk [tilespmem:v0+s19+$0xFFFFFFC0 ss:$0x1], $0xffff;
	[tilespmem:s20+$0xFFFFFFE0] =	vst v4  }
0x30: {  	v5 =	vld.idx.msk [tilespmem:v0+s19+$0xFFFFFFD0 ss:$0x1], $0xffff;
	[tilespmem:s20+$0xFFFFFFF0] =	vst v3  }
.Ltmp3:
0x31: {  	v4 =	vld.idx.msk [tilespmem:v0+s19+$0xFFFFFFE0 ss:$0x1], $0xffff;
	[tilespmem:s20+$0x0] =	vst v1;
	(pc) =	sbr.rel @p1 .LBB1_5-.Ltmp3, $4  }
0x32: {  	v3 =	vld.idx.msk [tilespmem:v0+s19+$0xFFFFFFF0 ss:$0x1], $0xffff;
	[tilespmem:s20+$0x10] =	vst v2  }
0x33: {  	v1 =	vld.idx.msk [tilespmem:v0+s19+$0x0 ss:$0x1], $0xffff;
	[tilespmem:s20+$0x20] =	vst v6;
	s20 =	sadd.s32 $0x400, s20  }
0x34: {  	v2 =	vld.idx.msk [tilespmem:v0+s19+$0x10 ss:$0x1], $0xffff;
	[tilespmem:s20+$0x30] =	vst v7  }
0x35: {  	[tilespmem:s20+$0xFFFFFFC0] =	vst v8;
	v6 =	vld.idx.msk [tilespmem:v0+s19+$0x20 ss:$0x1], $0xffff;
	s19 =	sshra.s32 s21, $0x2;
	s21 =	sadd.s32 $0x200, s21  }
0x36: {  	_ =	sdelay $0x2  }
0x37: {  	[tilespmem:s20+$0xFFFFFFD0] =	vst v5  }
0x38: {  	v56 =	vld.idx.msk [tilespmem:v0+s19+$0x30 ss:$0x1], $0xffff;
	[tilespmem:s20+$0xFFFFFFE0] =	vst v4  }
0x39: {  	v57 =	vld.idx.msk [tilespmem:v0+s19+$0xFFFFFFC0 ss:$0x1], $0xffff;
	[tilespmem:s20+$0xFFFFFFF0] =	vst v3  }
0x3a: {  	v58 =	vld.idx.msk [tilespmem:v0+s19+$0xFFFFFFD0 ss:$0x1], $0xffff;
	[tilespmem:s20+$0x0] =	vst v1  }
0x3b: {  	v59 =	vld.idx.msk [tilespmem:v0+s19+$0xFFFFFFE0 ss:$0x1], $0xffff;
	[tilespmem:s20+$0x10] =	vst v2  }
0x3c: {  	v60 =	vld.idx.msk [tilespmem:v0+s19+$0xFFFFFFF0 ss:$0x1], $0xffff;
	s31 =	sadd.s32 $0x400, s20;
	[tilespmem:s20+$0x20] =	vst v6  }
0x3d: {  	v61 =	vld.idx.msk [tilespmem:v0+s19+$0x0 ss:$0x1], $0xffff;
	[tilespmem:s31+$0x30] =	vst v56  }
0x3e: {  	v62 =	vld.idx.msk [tilespmem:v0+s19+$0x10 ss:$0x1], $0xffff;
	s18 =	sadd.s32 $0x1, s18;
	[tilespmem:s31+$0xFFFFFFC0] =	vst v57  }
0x3f: {  	v63 =	vld.idx.msk [tilespmem:v0+s19+$0x20 ss:$0x1], $0xffff;
	p1 =	sne.s32 s18, $0x8;
	[tilespmem:s31+$0xFFFFFFD0] =	vst v58  }
.Ltmp4:
0x40: {  	[tilespmem:s31+$0xFFFFFFE0] =	vst v59;
	(pc) =	sbr.rel @p1 .LBB1_4-.Ltmp4, $4  }
0x41: {  	[tilespmem:s31+$0xFFFFFFF0] =	vst v60  }
0x42: {  	[tilespmem:s31+$0x0] =	vst v61  }
0x43: {  	[tilespmem:s31+$0x10] =	vst v62  }
0x44: {  	s16 =	sadd.s32 $0x80, s16;
	s17 =	sadd.s32 $0x400, s17;
	[tilespmem:s31+$0x20] =	vst v63  }
.Ltmp5:
0x45: {  	(pc) =	sbr.rel @p0 .LBB1_3-.Ltmp5, $2  }
0x46: {  	_ =	sdelay $0x2  }
0x47: {  	s16 =	simm.s32 $0x2000;
	p1 =	por $0x0, $0x0  }
.Ltmp6:
0x48: {  	(pc) =	sbr.rel .LBB1_9-.Ltmp6, $4  }
0x49: {  	_ = 	snop  }
0x4a: {  	s12 =	sshll.u32 s12, $0xA  }
0x4b: {  	s12 =	sadd.s32 s4, s12  }
0x4c: {  	[hbm4b:s12+s8] =	stream.linear.scatter [tilespmem:s13], [sflag:$0x2], $0x4000, $0x38;
	[tilespmem:$0x10000] =	vst v63  }
.LBB1_10:
0x4d: {  	_ =	sfence.sel $0x180000  }
0x4e: {  	s2 =	simm.s32 $0x1;
	[bflag:$0x0] =	sbarrier.arrive $0xFFFF  }
0x4f: {  	s31 =	simm.s32 $0x2;
	[sflag:s2] =	ssyncpa.u1 $0x1  }
0x50: {  	[sflag:s31] =	ssyncpa.u1 $0x1  }
0x51: {  	p0 =	sne.s32 s0, $0x0;
	_ =	strace $0x90000047  }
0x52: {  	s0 =	sadd.s32 @!p0 $0x100000, s1;
	[bflag:$0x2] =	sbarrier.arrive $0xFFFF  }
0x53: {  	[sflag:s0] =	ssyncadd.tile.s32 @!p0 $0x1;
	_ =	shalt  }
.Lfunc_end1:
_tile_overlayer_lowered:
.L_overlay_start_2:
0x54: {  	(tag) =	ssettag $0x2  }
0x55: {  	s0 =	rddreg [dreg:$0x0];
	s2 =	stileid.u32  }
0x56: {  	s1 =	rddreg [dreg:$0x1];
	p0 =	sne.s32 s2, $0x0  }
0x57: {  	s3 =	rddreg [dreg:$0x2];
	[bflag:$0x3] =	sbarrier.arrive $0xFFFF;
	s2 =	simm.s32 @!p0 $0x1C01  }
0x58: {  	[timem:s3], [sflag:s2] =	dma.local @!p0 [hbm:s0], s1  }
0x59: {  	s0 =	simm.s32 @!p0 $0x1  }
0x5a: {  	_ =	swait.ge @!p0 [sflag:s0], s1  }
0x5b: {  	s1 =	ssub.s32 @!p0 $0x0, s1;
	[sflag:s0] =	ssyncset.done @!p0 $0x0  }
0x5c: {  	[sflag:s0] =	ssyncadd.s32 @!p0 s1  }
0x5d: {  	[bflag:$0x3] =	sbarrier.arrive $0xFFFF  }
0x5e: {  	_ =	shalt  }

</sc_bundles>
